<compile_context>
chip_gen: v7x
topology: tpu7x:2x2x1
jax: 0.10.2.dev20260603
libtpu: 0.0.44.dev20260713+nightly
codegen_flags: <defaults>
</compile_context>

<pallas_src>
import functools

import jax
import jax.numpy as jnp
from jax import lax
from jax.experimental import pallas as pl
from jax.experimental.pallas import tpu as pltpu
from jax.experimental.pallas import tpu_sc as plsc

N = 10000
E = 320000
IN_CH, HID_CH, CLS_CH = 128, 256, 64

NC, NS = 2, 16
NW = NC * NS
EPW = E // NW
NACC = 10240
RPT = NACC // NS

_mesh = plsc.VectorSubcoreMesh(core_axis_name="c", subcore_axis_name="s")


HCH = 128
HNCHUNK = 81
HEPW_PAD = HNCHUNK * HCH


@functools.partial(
    pl.kernel,
    out_type=jax.ShapeDtypeStruct((NC, NACC), jnp.float32),
    mesh=_mesh,
    scratch_types=[
        pltpu.VMEM((HNCHUNK, HCH), jnp.int32),
        pltpu.VMEM((HCH,), jnp.float32),
        pltpu.VMEM_SHARED((NACC,), jnp.float32),
    ],
)
def _sc_degree(dst_hbm, zeros_hbm, deg_hbm, idx_d, ones_v, deg_sh):
    c = lax.axis_index("c")
    s = lax.axis_index("s")
    w = s * NC + c
    pltpu.sync_copy(dst_hbm.at[w], idx_d)
    for i in range(HCH // 16):
        ones_v[pl.ds(i * 16, 16)] = jnp.ones((16,), jnp.float32)
    r0 = s * RPT
    pltpu.sync_copy(zeros_hbm.at[pl.ds(r0, RPT)], deg_sh.at[pl.ds(r0, RPT)])
    plsc.subcore_barrier()

    def body(j, carry):
        pltpu.sync_copy(ones_v, deg_sh.at[idx_d.at[j]], add=True)
        return carry

    lax.fori_loop(0, HNCHUNK, body, 0)
    plsc.subcore_barrier()
    pltpu.sync_copy(deg_sh.at[pl.ds(r0, RPT)], deg_hbm.at[c, pl.ds(r0, RPT)])


CH2, NCHUNK2 = 128, 81
NBUF = 3
D_AGG = CLS_CH
RPT_T = N // NS


def _make_sc_agg(n_phase):
    @functools.partial(
        pl.kernel,
        out_type=jax.ShapeDtypeStruct((n_phase, NC, NACC, D_AGG), jnp.float32),
        mesh=_mesh,
        compiler_params=pltpu.CompilerParams(use_tc_tiling_on_sc=False),
        scratch_types=[
            pltpu.VMEM((NCHUNK2, CH2), jnp.int32),
            pltpu.VMEM((NCHUNK2, CH2), jnp.int32),
            pltpu.VMEM_SHARED((N, D_AGG), jnp.float32),
            pltpu.VMEM_SHARED((NACC, D_AGG), jnp.float32),
        ] + [pltpu.VMEM((CH2, D_AGG), jnp.float32) for _ in range(NBUF)]
          + [pltpu.SemaphoreType.DMA for _ in range(2 * NBUF)],
    )
    def _sc_agg(src_hbm, dst_hbm, *feats_zeros_out_scratch):
        feats = feats_zeros_out_scratch[:n_phase]
        rest = feats_zeros_out_scratch[n_phase:]
        zeros_hbm, out_hbm, idx_s, idx_d, table_sh, acc_sh = rest[:6]
        rows = rest[6:6 + NBUF]
        gsem = rest[6 + NBUF:6 + 2 * NBUF]
        ssem = rest[6 + 2 * NBUF:]
        c = lax.axis_index("c")
        s = lax.axis_index("s")
        w = s * NC + c
        r0 = s * RPT
        t0 = s * RPT_T
        pltpu.sync_copy(src_hbm.at[w], idx_s)
        pltpu.sync_copy(dst_hbm.at[w], idx_d)

        NPJ = NCHUNK2 // NBUF

        for h in range(n_phase):
            pltpu.sync_copy(feats[h].at[pl.ds(t0, RPT_T)],
                            table_sh.at[pl.ds(t0, RPT_T)])
            pltpu.sync_copy(zeros_hbm.at[pl.ds(r0, RPT)],
                            acc_sh.at[pl.ds(r0, RPT)])
            plsc.subcore_barrier()

            for k in range(NBUF):
                pltpu.async_copy(table_sh.at[idx_s.at[k]], rows[k], gsem[k])

            def body(j, carry):
                for k in range(NBUF):
                    ck = NBUF * j + k
                    pltpu.make_async_copy(table_sh.at[idx_s.at[ck]], rows[k],
                                          gsem[k]).wait()
                    pltpu.async_copy(rows[k], acc_sh.at[idx_d.at[ck]], ssem[k],
                                     add=True)

                @pl.when(j < NPJ - 1)
                def _():
                    for k in range(NBUF):
                        ck = NBUF * j + k
                        pltpu.make_async_copy(rows[k], acc_sh.at[idx_d.at[ck]],
                                              ssem[k]).wait()
                        pltpu.async_copy(table_sh.at[idx_s.at[ck + NBUF]],
                                         rows[k], gsem[k])
                return carry

            lax.fori_loop(0, NPJ, body, 0)
            for k in range(NBUF):
                ck = NCHUNK2 - NBUF + k
                pltpu.make_async_copy(rows[k], acc_sh.at[idx_d.at[ck]],
                                      ssem[k]).wait()
            plsc.subcore_barrier()
            pltpu.sync_copy(acc_sh.at[pl.ds(r0, RPT)],
                            out_hbm.at[h, c, pl.ds(r0, RPT)])

    return _sc_agg


_sc_agg1 = _make_sc_agg(1)
_sc_agg2 = _make_sc_agg(2)


_BR = 1000


def _tc_prescale_body(dega, degb, x, xp, xlo, xhi, dinv):
    di = lax.rsqrt(dega[...] + degb[...] + 1.0)
    dinv[...] = di
    xpv = x[...] * di
    xp[...] = xpv
    xlo[...] = xpv[:, :IN_CH // 2]
    xhi[...] = xpv[:, IN_CH // 2:]


def _tc_prescale(dega, degb, x):
    grid = (N // _BR,)
    return pl.pallas_call(
        _tc_prescale_body,
        grid=grid,
        in_specs=[
            pl.BlockSpec((_BR, 1), lambda i: (i, 0)),
            pl.BlockSpec((_BR, 1), lambda i: (i, 0)),
            pl.BlockSpec((_BR, IN_CH), lambda i: (i, 0)),
        ],
        out_specs=[
            pl.BlockSpec((_BR, IN_CH), lambda i: (i, 0)),
            pl.BlockSpec((_BR, IN_CH // 2), lambda i: (i, 0)),
            pl.BlockSpec((_BR, IN_CH // 2), lambda i: (i, 0)),
            pl.BlockSpec((_BR, 1), lambda i: (i, 0)),
        ],
        out_shape=[
            jax.ShapeDtypeStruct((N, IN_CH), jnp.float32),
            jax.ShapeDtypeStruct((N, IN_CH // 2), jnp.float32),
            jax.ShapeDtypeStruct((N, IN_CH // 2), jnp.float32),
            jax.ShapeDtypeStruct((N, 1), jnp.float32),
        ],
    )(dega, degb, x)


def _tc_mid_body(h0a, h0b, h1a, h1b, xp, dinv, W1, b1, W2, y2):
    di = dinv[...]
    xpv = xp[...]
    u_lo = h0a[...] + h0b[...] + xpv[:, :IN_CH // 2]
    u_hi = h1a[...] + h1b[...] + xpv[:, IN_CH // 2:]
    u = jnp.concatenate([u_lo, u_hi], axis=1) * di
    h = jnp.dot(u, W1[...], preferred_element_type=jnp.float32) + b1[...]
    h = jnp.maximum(h, 0.0)
    g = jnp.dot(h, W2[...], preferred_element_type=jnp.float32)
    y2[...] = g * di


def _tc_mid(h0a, h0b, h1a, h1b, xp, dinv, W1, b1, W2):
    grid = (N // _BR,)
    half = pl.BlockSpec((_BR, IN_CH // 2), lambda i: (i, 0))
    return pl.pallas_call(
        _tc_mid_body,
        grid=grid,
        in_specs=[
            half, half, half, half,
            pl.BlockSpec((_BR, IN_CH), lambda i: (i, 0)),
            pl.BlockSpec((_BR, 1), lambda i: (i, 0)),
            pl.BlockSpec((IN_CH, HID_CH), lambda i: (0, 0)),
            pl.BlockSpec((1, HID_CH), lambda i: (0, 0)),
            pl.BlockSpec((HID_CH, CLS_CH), lambda i: (0, 0)),
        ],
        out_specs=pl.BlockSpec((_BR, CLS_CH), lambda i: (i, 0)),
        out_shape=jax.ShapeDtypeStruct((N, CLS_CH), jnp.float32),
    )(h0a, h0b, h1a, h1b, xp, dinv, W1, b1, W2)


def _tc_final_body(z2a, z2b, y2, dinv, b2, out):
    out[...] = (z2a[...] + z2b[...] + y2[...]) * dinv[...] + b2[...]


def _tc_final(z2a, z2b, y2, dinv, b2):
    grid = (N // _BR,)
    return pl.pallas_call(
        _tc_final_body,
        grid=grid,
        in_specs=[
            pl.BlockSpec((_BR, CLS_CH), lambda i: (i, 0)),
            pl.BlockSpec((_BR, CLS_CH), lambda i: (i, 0)),
            pl.BlockSpec((_BR, CLS_CH), lambda i: (i, 0)),
            pl.BlockSpec((_BR, 1), lambda i: (i, 0)),
            pl.BlockSpec((1, CLS_CH), lambda i: (0, 0)),
        ],
        out_specs=pl.BlockSpec((_BR, CLS_CH), lambda i: (i, 0)),
        out_shape=jax.ShapeDtypeStruct((N, CLS_CH), jnp.float32),
    )(z2a, z2b, y2, dinv, b2)


def _pad_edges(v, ch, nchunk, fill):
    pad = nchunk * ch - EPW
    return jnp.pad(v, ((0, 0), (0, pad)), constant_values=fill).reshape(
        NW, nchunk, ch)


def kernel(x, edge_index, W1, b1, W2, b2):
    src = edge_index[0].astype(jnp.int32).reshape(NW, EPW)
    dst = edge_index[1].astype(jnp.int32).reshape(NW, EPW)
    srcp = _pad_edges(src, CH2, NCHUNK2, 0)
    dstp = _pad_edges(dst, CH2, NCHUNK2, N)

    zeros1 = jnp.zeros((NACC,), jnp.float32)
    zeros_cls = jnp.zeros((NACC, CLS_CH), jnp.float32)

    deg = _sc_degree(dstp, zeros1)
    dega = deg[0, :N].reshape(N, 1)
    degb = deg[1, :N].reshape(N, 1)

    xp, xp_lo, xp_hi, dinv = _tc_prescale(dega, degb, x)

    z1 = _sc_agg2(srcp, dstp, xp_lo, xp_hi, zeros_cls)
    y2 = _tc_mid(z1[0, 0, :N], z1[0, 1, :N], z1[1, 0, :N], z1[1, 1, :N],
                 xp, dinv, W1, b1.reshape(1, HID_CH), W2)

    z2 = _sc_agg1(srcp, dstp, y2, zeros_cls)
    out = _tc_final(z2[0, 0, :N], z2[0, 1, :N], y2, dinv, b2.reshape(1, CLS_CH))
    return out

# --- scband reference (transcript-rebuilt; emitter-appended) ---
"""Pipeline reference for scband-gcn-1168231104584 (READ-ONLY COPY).

The authoritative reference and input builder live on the scoring server;
editing this copy changes nothing except your own understanding.
"""

import jax, jax.numpy as jnp
import numpy as np

N_NODES = 10000


def gcn_conv(x, edge_index, W, b):
    n = x.shape[0]
    src = edge_index[0]
    dst = edge_index[1]
    loop = jnp.arange(n, dtype=edge_index.dtype)
    src = jnp.concatenate([src, loop])
    dst = jnp.concatenate([dst, loop])
    deg = jnp.zeros((n,), dtype=x.dtype).at[dst].add(1.0)
    dinv = jnp.where(deg > 0, jax.lax.rsqrt(jnp.maximum(deg, 1.0)), 0.0)
    norm = dinv[src] * dinv[dst]
    h = x @ W
    msg = h[src] * norm[:, None]
    out = jnp.zeros((n, W.shape[1]), dtype=x.dtype).at[dst].add(msg)
    return out + b


def setup_inputs(seed: int = 0) -> dict:
    key = jax.random.key(seed)
    k1, k2, k3, k4, k5, k6 = jax.random.split(key, 6)
    in_ch, hid_ch, cls_ch = 128, 256, 64
    x = jax.random.normal(k1, (N_NODES, in_ch), dtype=jnp.float32)
    edge_index = jax.random.randint(k2, (2, 320000), 0, N_NODES, dtype=jnp.int64)
    glorot1 = (6.0 / (in_ch + hid_ch)) ** 0.5
    glorot2 = (6.0 / (hid_ch + cls_ch)) ** 0.5
    W1 = jax.random.uniform(k3, (in_ch, hid_ch), minval=-glorot1, maxval=glorot1, dtype=jnp.float32)
    b1 = jnp.zeros((hid_ch,), dtype=jnp.float32)
    W2 = jax.random.uniform(k4, (hid_ch, cls_ch), minval=-glorot2, maxval=glorot2, dtype=jnp.float32)
    b2 = jnp.zeros((cls_ch,), dtype=jnp.float32)
    return {"x": x, "edge_index": edge_index, "W1": W1, "b1": b1, "W2": W2, "b2": b2}


def reference(x, edge_index, W1, b1, W2, b2):
    # conv1 + relu
    h = gcn_conv(x, edge_index, W1, b1)
    h = jax.nn.relu(h)
    # dropout p=0.0 (identity)
    # conv2
    out = gcn_conv(h, edge_index, W2, b2)
    # multi_class=True -> return logits directly
    return out

if __name__ == "__main__":
    import jax
    _d = setup_inputs()
    print(jax.jit(kernel)(*tuple(_d.values())))

</pallas_src>

<mosaic_0001>
#map = affine_map<(d0, d1) -> (0, 0, 0)>
#map1 = affine_map<(d0, d1) -> (0, 0)>
#map2 = affine_map<(d0, d1) -> (0, 0, 0, 0)>
module attributes {stable_mosaic.version = 14 : i64} {
  func.func @_sc_agg(%arg0: i32, %arg1: i32, %arg2: memref<32x81x128xi32, #tpu.memory_space<hbm>>, %arg3: memref<32x81x128xi32, #tpu.memory_space<hbm>>, %arg4: memref<10000x64xf32, #tpu.memory_space<hbm>>, %arg5: memref<10000x64xf32, #tpu.memory_space<hbm>>, %arg6: memref<10240x64xf32, #tpu.memory_space<hbm>>, %arg7: memref<2x2x10240x64xf32, #tpu.memory_space<hbm>>, %arg8: memref<81x128xi32, #tpu.memory_space<vmem>>, %arg9: memref<81x128xi32, #tpu.memory_space<vmem>>, %arg10: memref<10000x64xf32, #tpu.memory_space<vmem_shared>>, %arg11: memref<10240x64xf32, #tpu.memory_space<vmem_shared>>, %arg12: memref<128x64xf32, #tpu.memory_space<vmem>>, %arg13: memref<128x64xf32, #tpu.memory_space<vmem>>, %arg14: memref<128x64xf32, #tpu.memory_space<vmem>>, %arg15: memref<!tpu.dma_semaphore, #tpu.memory_space<semaphore_mem>>, %arg16: memref<!tpu.dma_semaphore, #tpu.memory_space<semaphore_mem>>, %arg17: memref<!tpu.dma_semaphore, #tpu.memory_space<semaphore_mem>>, %arg18: memref<!tpu.dma_semaphore, #tpu.memory_space<semaphore_mem>>, %arg19: memref<!tpu.dma_semaphore, #tpu.memory_space<semaphore_mem>>, %arg20: memref<!tpu.dma_semaphore, #tpu.memory_space<semaphore_mem>>) attributes {dimension_semantics = [#tpu.dimension_semantics<core_parallel>, #tpu.dimension_semantics<subcore_parallel>], iteration_bounds = array<i64: 2, 16>, scalar_prefetch = 0 : i64, scratch_operands = 13 : i64, tpu.core_type = #tpu.core_type<sc_vector_subcore>, window_params = [{transform_indices = #map}, {transform_indices = #map}, {transform_indices = #map1}, {transform_indices = #map1}, {transform_indices = #map1}, {transform_indices = #map2}]} {
    %mul3A = arith.constant 2 : i32
    %mul3A_0 = arith.muli %arg1, %mul3A : i32
    %add3A = arith.addi %mul3A_0, %arg0 : i32
    %mul3A_1 = arith.constant 640 : i32
    %mul3A_2 = arith.muli %arg1, %mul3A_1 : i32
    %mul3A_3 = arith.constant 625 : i32
    %mul3A_4 = arith.muli %arg1, %mul3A_3 : i32
    "tpu.region"() ({
      %run_scoped3A_102 = tpu.sem_alloc : memref<!tpu.dma_semaphore, #tpu.memory_space<semaphore_mem>>
      %dma_start3A_103 = arith.constant 0 : i32
      %dma_start3A_104 = arith.constant 0 : i32
      %dma_start3A_105 = tpu.memref_slice %arg2[%add3A, %dma_start3A_103, %dma_start3A_104] : memref<32x81x128xi32, #tpu.memory_space<hbm>> -> memref<1x81x128xi32, #tpu.memory_space<hbm>>
      %dma_start3A_106 = tpu.memref_squeeze %dma_start3A_105 : memref<1x81x128xi32, #tpu.memory_space<hbm>> -> memref<81x128xi32, #tpu.memory_space<hbm>>
      %dma_start3A_107 = arith.constant 0 : i32
      %dma_start3A_108 = arith.constant 0 : i32
      %dma_start3A_109 = tpu.memref_slice %arg2[%add3A, %dma_start3A_107, %dma_start3A_108] : memref<32x81x128xi32, #tpu.memory_space<hbm>> -> memref<1x81x128xi32, #tpu.memory_space<hbm>>
      %dma_start3A_110 = tpu.memref_squeeze %dma_start3A_109 : memref<1x81x128xi32, #tpu.memory_space<hbm>> -> memref<81x128xi32, #tpu.memory_space<hbm>>
      tpu.enqueue_dma source(%dma_start3A_110 : memref<81x128xi32, #tpu.memory_space<hbm>>) target(%arg8 : memref<81x128xi32, #tpu.memory_space<vmem>>) target_semaphore(%run_scoped3A_102 : memref<!tpu.dma_semaphore, #tpu.memory_space<semaphore_mem>>)
      %dma_wait3A_111 = arith.constant 0 : i32
      %dma_wait3A_112 = arith.constant 0 : i32
      %dma_wait3A_113 = tpu.memref_slice %arg2[%add3A, %dma_wait3A_111, %dma_wait3A_112] : memref<32x81x128xi32, #tpu.memory_space<hbm>> -> memref<1x81x128xi32, #tpu.memory_space<hbm>>
      %dma_wait3A_114 = tpu.memref_squeeze %dma_wait3A_113 : memref<1x81x128xi32, #tpu.memory_space<hbm>> -> memref<81x128xi32, #tpu.memory_space<hbm>>
      %dma_wait3A_115 = arith.constant 0 : i32
      %dma_wait3A_116 = arith.constant 0 : i32
      %dma_wait3A_117 = tpu.memref_slice %arg2[%add3A, %dma_wait3A_115, %dma_wait3A_116] : memref<32x81x128xi32, #tpu.memory_space<hbm>> -> memref<1x81x128xi32, #tpu.memory_space<hbm>>
      %dma_wait3A_118 = tpu.memref_squeeze %dma_wait3A_117 : memref<1x81x128xi32, #tpu.memory_space<hbm>> -> memref<81x128xi32, #tpu.memory_space<hbm>>
      tpu.wait_dma2 semaphore(%run_scoped3A_102 : memref<!tpu.dma_semaphore, #tpu.memory_space<semaphore_mem>>) src(%dma_wait3A_118 : memref<81x128xi32, #tpu.memory_space<hbm>>) dst(%arg8 : memref<81x128xi32, #tpu.memory_space<vmem>>)
      tpu.yield
    }) : () -> ()
    "tpu.region"() ({
      %run_scoped3A_102 = tpu.sem_alloc : memref<!tpu.dma_semaphore, #tpu.memory_space<semaphore_mem>>
      %dma_start3A_103 = arith.constant 0 : i32
      %dma_start3A_104 = arith.constant 0 : i32
      %dma_start3A_105 = tpu.memref_slice %arg3[%add3A, %dma_start3A_103, %dma_start3A_104] : memref<32x81x128xi32, #tpu.memory_space<hbm>> -> memref<1x81x128xi32, #tpu.memory_space<hbm>>
      %dma_start3A_106 = tpu.memref_squeeze %dma_start3A_105 : memref<1x81x128xi32, #tpu.memory_space<hbm>> -> memref<81x128xi32, #tpu.memory_space<hbm>>
      %dma_start3A_107 = arith.constant 0 : i32
      %dma_start3A_108 = arith.constant 0 : i32
      %dma_start3A_109 = tpu.memref_slice %arg3[%add3A, %dma_start3A_107, %dma_start3A_108] : memref<32x81x128xi32, #tpu.memory_space<hbm>> -> memref<1x81x128xi32, #tpu.memory_space<hbm>>
      %dma_start3A_110 = tpu.memref_squeeze %dma_start3A_109 : memref<1x81x128xi32, #tpu.memory_space<hbm>> -> memref<81x128xi32, #tpu.memory_space<hbm>>
      tpu.enqueue_dma source(%dma_start3A_110 : memref<81x128xi32, #tpu.memory_space<hbm>>) target(%arg9 : memref<81x128xi32, #tpu.memory_space<vmem>>) target_semaphore(%run_scoped3A_102 : memref<!tpu.dma_semaphore, #tpu.memory_space<semaphore_mem>>)
      %dma_wait3A_111 = arith.constant 0 : i32
      %dma_wait3A_112 = arith.constant 0 : i32
      %dma_wait3A_113 = tpu.memref_slice %arg3[%add3A, %dma_wait3A_111, %dma_wait3A_112] : memref<32x81x128xi32, #tpu.memory_space<hbm>> -> memref<1x81x128xi32, #tpu.memory_space<hbm>>
      %dma_wait3A_114 = tpu.memref_squeeze %dma_wait3A_113 : memref<1x81x128xi32, #tpu.memory_space<hbm>> -> memref<81x128xi32, #tpu.memory_space<hbm>>
      %dma_wait3A_115 = arith.constant 0 : i32
      %dma_wait3A_116 = arith.constant 0 : i32
      %dma_wait3A_117 = tpu.memref_slice %arg3[%add3A, %dma_wait3A_115, %dma_wait3A_116] : memref<32x81x128xi32, #tpu.memory_space<hbm>> -> memref<1x81x128xi32, #tpu.memory_space<hbm>>
      %dma_wait3A_118 = tpu.memref_squeeze %dma_wait3A_117 : memref<1x81x128xi32, #tpu.memory_space<hbm>> -> memref<81x128xi32, #tpu.memory_space<hbm>>
      tpu.wait_dma2 semaphore(%run_scoped3A_102 : memref<!tpu.dma_semaphore, #tpu.memory_space<semaphore_mem>>) src(%dma_wait3A_118 : memref<81x128xi32, #tpu.memory_space<hbm>>) dst(%arg9 : memref<81x128xi32, #tpu.memory_space<vmem>>)
      tpu.yield
    }) : () -> ()
    "tpu.region"() ({
      %run_scoped3A_102 = tpu.sem_alloc : memref<!tpu.dma_semaphore, #tpu.memory_space<semaphore_mem>>
      %dma_start3A_103 = arith.constant 0 : i32
      %dma_start3A_104 = tpu.memref_slice %arg10[%mul3A_4, %dma_start3A_103] : memref<10000x64xf32, #tpu.memory_space<vmem_shared>> -> memref<625x64xf32, #tpu.memory_space<vmem_shared>>
      %dma_start3A_105 = arith.constant 0 : i32
      %dma_start3A_106 = tpu.memref_slice %arg4[%mul3A_4, %dma_start3A_105] : memref<10000x64xf32, #tpu.memory_space<hbm>> -> memref<625x64xf32, #tpu.memory_space<hbm>>
      tpu.enqueue_dma source(%dma_start3A_106 : memref<625x64xf32, #tpu.memory_space<hbm>>) target(%dma_start3A_104 : memref<625x64xf32, #tpu.memory_space<vmem_shared>>) target_semaphore(%run_scoped3A_102 : memref<!tpu.dma_semaphore, #tpu.memory_space<semaphore_mem>>)
      %dma_wait3A_107 = arith.constant 0 : i32
      %dma_wait3A_108 = tpu.memref_slice %arg10[%mul3A_4, %dma_wait3A_107] : memref<10000x64xf32, #tpu.memory_space<vmem_shared>> -> memref<625x64xf32, #tpu.memory_space<vmem_shared>>
      %dma_wait3A_109 = arith.constant 0 : i32
      %dma_wait3A_110 = tpu.memref_slice %arg4[%mul3A_4, %dma_wait3A_109] : memref<10000x64xf32, #tpu.memory_space<hbm>> -> memref<625x64xf32, #tpu.memory_space<hbm>>
      tpu.wait_dma2 semaphore(%run_scoped3A_102 : memref<!tpu.dma_semaphore, #tpu.memory_space<semaphore_mem>>) src(%dma_wait3A_110 : memref<625x64xf32, #tpu.memory_space<hbm>>) dst(%dma_wait3A_108 : memref<625x64xf32, #tpu.memory_space<vmem_shared>>)
      tpu.yield
    }) : () -> ()
    "tpu.region"() ({
      %run_scoped3A_102 = tpu.sem_alloc : memref<!tpu.dma_semaphore, #tpu.memory_space<semaphore_mem>>
      %dma_start3A_103 = arith.constant 0 : i32
      %dma_start3A_104 = tpu.memref_slice %arg11[%mul3A_2, %dma_start3A_103] : memref<10240x64xf32, #tpu.memory_space<vmem_shared>> -> memref<640x64xf32, #tpu.memory_space<vmem_shared>>
      %dma_start3A_105 = arith.constant 0 : i32
      %dma_start3A_106 = tpu.memref_slice %arg6[%mul3A_2, %dma_start3A_105] : memref<10240x64xf32, #tpu.memory_space<hbm>> -> memref<640x64xf32, #tpu.memory_space<hbm>>
      tpu.enqueue_dma source(%dma_start3A_106 : memref<640x64xf32, #tpu.memory_space<hbm>>) target(%dma_start3A_104 : memref<640x64xf32, #tpu.memory_space<vmem_shared>>) target_semaphore(%run_scoped3A_102 : memref<!tpu.dma_semaphore, #tpu.memory_space<semaphore_mem>>)
      %dma_wait3A_107 = arith.constant 0 : i32
      %dma_wait3A_108 = tpu.memref_slice %arg11[%mul3A_2, %dma_wait3A_107] : memref<10240x64xf32, #tpu.memory_space<vmem_shared>> -> memref<640x64xf32, #tpu.memory_space<vmem_shared>>
      %dma_wait3A_109 = arith.constant 0 : i32
      %dma_wait3A_110 = tpu.memref_slice %arg6[%mul3A_2, %dma_wait3A_109] : memref<10240x64xf32, #tpu.memory_space<hbm>> -> memref<640x64xf32, #tpu.memory_space<hbm>>
      tpu.wait_dma2 semaphore(%run_scoped3A_102 : memref<!tpu.dma_semaphore, #tpu.memory_space<semaphore_mem>>) src(%dma_wait3A_110 : memref<640x64xf32, #tpu.memory_space<hbm>>) dst(%dma_wait3A_108 : memref<640x64xf32, #tpu.memory_space<vmem_shared>>)
      tpu.yield
    }) : () -> ()
    %barrier3A = arith.constant 0 : index
    tpu.barrier barrier_id(%barrier3A)
    %dma_start3A = arith.constant 0 : i32
    %dma_start3A_5 = arith.constant 0 : i32
    %dma_start3A_6 = tpu.memref_slice %arg8[%dma_start3A, %dma_start3A_5] : memref<81x128xi32, #tpu.memory_space<vmem>> -> memref<1x128xi32, #tpu.memory_space<vmem>>
    %dma_start3A_7 = tpu.memref_squeeze %dma_start3A_6 : memref<1x128xi32, #tpu.memory_space<vmem>> -> memref<128xi32, #tpu.memory_space<vmem>>
    %dma_start3A_8 = arith.constant 0 : i32
    %dma_start3A_9 = arith.constant 0 : i32
    %dma_start3A_10 = tpu.memref_slice %arg10[%dma_start3A_8, %dma_start3A_9] : memref<10000x64xf32, #tpu.memory_space<vmem_shared>> -> memref<10000x64xf32, #tpu.memory_space<vmem_shared>>
    tpu.enqueue_indirect_dma source(%dma_start3A_10 : memref<10000x64xf32, #tpu.memory_space<vmem_shared>>) target(%arg12 : memref<128x64xf32, #tpu.memory_space<vmem>>) offsets(%dma_start3A_7 : memref<128xi32, #tpu.memory_space<vmem>>) semaphore(%arg15 : memref<!tpu.dma_semaphore, #tpu.memory_space<semaphore_mem>>)
    %dma_start3A_11 = arith.constant 1 : i32
    %dma_start3A_12 = arith.constant 0 : i32
    %dma_start3A_13 = tpu.memref_slice %arg8[%dma_start3A_11, %dma_start3A_12] : memref<81x128xi32, #tpu.memory_space<vmem>> -> memref<1x128xi32, #tpu.memory_space<vmem>>
    %dma_start3A_14 = tpu.memref_squeeze %dma_start3A_13 : memref<1x128xi32, #tpu.memory_space<vmem>> -> memref<128xi32, #tpu.memory_space<vmem>>
    %dma_start3A_15 = arith.constant 0 : i32
    %dma_start3A_16 = arith.constant 0 : i32
    %dma_start3A_17 = tpu.memref_slice %arg10[%dma_start3A_15, %dma_start3A_16] : memref<10000x64xf32, #tpu.memory_space<vmem_shared>> -> memref<10000x64xf32, #tpu.memory_space<vmem_shared>>
    tpu.enqueue_indirect_dma source(%dma_start3A_17 : memref<10000x64xf32, #tpu.memory_space<vmem_shared>>) target(%arg13 : memref<128x64xf32, #tpu.memory_space<vmem>>) offsets(%dma_start3A_14 : memref<128xi32, #tpu.memory_space<vmem>>) semaphore(%arg16 : memref<!tpu.dma_semaphore, #tpu.memory_space<semaphore_mem>>)
    %dma_start3A_18 = arith.constant 2 : i32
    %dma_start3A_19 = arith.constant 0 : i32
    %dma_start3A_20 = tpu.memref_slice %arg8[%dma_start3A_18, %dma_start3A_19] : memref<81x128xi32, #tpu.memory_space<vmem>> -> memref<1x128xi32, #tpu.memory_space<vmem>>
    %dma_start3A_21 = tpu.memref_squeeze %dma_start3A_20 : memref<1x128xi32, #tpu.memory_space<vmem>> -> memref<128xi32, #tpu.memory_space<vmem>>
    %dma_start3A_22 = arith.constant 0 : i32
    %dma_start3A_23 = arith.constant 0 : i32
    %dma_start3A_24 = tpu.memref_slice %arg10[%dma_start3A_22, %dma_start3A_23] : memref<10000x64xf32, #tpu.memory_space<vmem_shared>> -> memref<10000x64xf32, #tpu.memory_space<vmem_shared>>
    tpu.enqueue_indirect_dma source(%dma_start3A_24 : memref<10000x64xf32, #tpu.memory_space<vmem_shared>>) target(%arg14 : memref<128x64xf32, #tpu.memory_space<vmem>>) offsets(%dma_start3A_21 : memref<128xi32, #tpu.memory_space<vmem>>) semaphore(%arg17 : memref<!tpu.dma_semaphore, #tpu.memory_space<semaphore_mem>>)
    %scan3A = arith.constant 0 : i32
    %scan3A_25 = arith.constant 0 : i32
    %scan3A_26 = arith.constant 27 : i32
    %scan3A_27 = arith.addi %scan3A_25, %scan3A_26 : i32
    %scan3A_28 = arith.constant 1 : i32
    scf.for %scan3A_102 = %scan3A_25 to %scan3A_27 step %scan3A_28  : i32 {
      %mul3A_103 = arith.constant 3 : i32
      %mul3A_104 = arith.muli %mul3A_103, %scan3A_102 : i32
      %add3A_105 = arith.constant 0 : i32
      %add3A_106 = arith.addi %mul3A_104, %add3A_105 : i32
      %dma_wait3A_107 = arith.constant 0 : i32
      %dma_wait3A_108 = tpu.memref_slice %arg8[%add3A_106, %dma_wait3A_107] : memref<81x128xi32, #tpu.memory_space<vmem>> -> memref<1x128xi32, #tpu.memory_space<vmem>>
      %dma_wait3A_109 = tpu.memref_squeeze %dma_wait3A_108 : memref<1x128xi32, #tpu.memory_space<vmem>> -> memref<128xi32, #tpu.memory_space<vmem>>
      %dma_wait3A_110 = arith.constant 0 : i32
      %dma_wait3A_111 = arith.constant 0 : i32
      %dma_wait3A_112 = tpu.memref_slice %arg10[%dma_wait3A_110, %dma_wait3A_111] : memref<10000x64xf32, #tpu.memory_space<vmem_shared>> -> memref<10000x64xf32, #tpu.memory_space<vmem_shared>>
      tpu.wait_indirect_dma semaphore(%arg15 : memref<!tpu.dma_semaphore, #tpu.memory_space<semaphore_mem>>) src(%dma_wait3A_112 : memref<10000x64xf32, #tpu.memory_space<vmem_shared>>) dst(%arg12 : memref<128x64xf32, #tpu.memory_space<vmem>>)
      %dma_start3A_113 = arith.constant 0 : i32
      %dma_start3A_114 = tpu.memref_slice %arg9[%add3A_106, %dma_start3A_113] : memref<81x128xi32, #tpu.memory_space<vmem>> -> memref<1x128xi32, #tpu.memory_space<vmem>>
      %dma_start3A_115 = tpu.memref_squeeze %dma_start3A_114 : memref<1x128xi32, #tpu.memory_space<vmem>> -> memref<128xi32, #tpu.memory_space<vmem>>
      %dma_start3A_116 = arith.constant 0 : i32
      %dma_start3A_117 = arith.constant 0 : i32
      %dma_start3A_118 = tpu.memref_slice %arg11[%dma_start3A_116, %dma_start3A_117] : memref<10240x64xf32, #tpu.memory_space<vmem_shared>> -> memref<10240x64xf32, #tpu.memory_space<vmem_shared>>
      tpu.enqueue_indirect_dma source(%arg12 : memref<128x64xf32, #tpu.memory_space<vmem>>) target(%dma_start3A_118 : memref<10240x64xf32, #tpu.memory_space<vmem_shared>>) offsets(%dma_start3A_115 : memref<128xi32, #tpu.memory_space<vmem>>) semaphore(%arg18 : memref<!tpu.dma_semaphore, #tpu.memory_space<semaphore_mem>>) {add = true}
      %mul3A_119 = arith.constant 3 : i32
      %mul3A_120 = arith.muli %mul3A_119, %scan3A_102 : i32
      %add3A_121 = arith.constant 1 : i32
      %add3A_122 = arith.addi %mul3A_120, %add3A_121 : i32
      %dma_wait3A_123 = arith.constant 0 : i32
      %dma_wait3A_124 = tpu.memref_slice %arg8[%add3A_122, %dma_wait3A_123] : memref<81x128xi32, #tpu.memory_space<vmem>> -> memref<1x128xi32, #tpu.memory_space<vmem>>
      %dma_wait3A_125 = tpu.memref_squeeze %dma_wait3A_124 : memref<1x128xi32, #tpu.memory_space<vmem>> -> memref<128xi32, #tpu.memory_space<vmem>>
      %dma_wait3A_126 = arith.constant 0 : i32
      %dma_wait3A_127 = arith.constant 0 : i32
      %dma_wait3A_128 = tpu.memref_slice %arg10[%dma_wait3A_126, %dma_wait3A_127] : memref<10000x64xf32, #tpu.memory_space<vmem_shared>> -> memref<10000x64xf32, #tpu.memory_space<vmem_shared>>
      tpu.wait_indirect_dma semaphore(%arg16 : memref<!tpu.dma_semaphore, #tpu.memory_space<semaphore_mem>>) src(%dma_wait3A_128 : memref<10000x64xf32, #tpu.memory_space<vmem_shared>>) dst(%arg13 : memref<128x64xf32, #tpu.memory_space<vmem>>)
      %dma_start3A_129 = arith.constant 0 : i32
      %dma_start3A_130 = tpu.memref_slice %arg9[%add3A_122, %dma_start3A_129] : memref<81x128xi32, #tpu.memory_space<vmem>> -> memref<1x128xi32, #tpu.memory_space<vmem>>
      %dma_start3A_131 = tpu.memref_squeeze %dma_start3A_130 : memref<1x128xi32, #tpu.memory_space<vmem>> -> memref<128xi32, #tpu.memory_space<vmem>>
      %dma_start3A_132 = arith.constant 0 : i32
      %dma_start3A_133 = arith.constant 0 : i32
      %dma_start3A_134 = tpu.memref_slice %arg11[%dma_start3A_132, %dma_start3A_133] : memref<10240x64xf32, #tpu.memory_space<vmem_shared>> -> memref<10240x64xf32, #tpu.memory_space<vmem_shared>>
      tpu.enqueue_indirect_dma source(%arg13 : memref<128x64xf32, #tpu.memory_space<vmem>>) target(%dma_start3A_134 : memref<10240x64xf32, #tpu.memory_space<vmem_shared>>) offsets(%dma_start3A_131 : memref<128xi32, #tpu.memory_space<vmem>>) semaphore(%arg19 : memref<!tpu.dma_semaphore, #tpu.memory_space<semaphore_mem>>) {add = true}
      %mul3A_135 = arith.constant 3 : i32
      %mul3A_136 = arith.muli %mul3A_135, %scan3A_102 : i32
      %add3A_137 = arith.constant 2 : i32
      %add3A_138 = arith.addi %mul3A_136, %add3A_137 : i32
      %dma_wait3A_139 = arith.constant 0 : i32
      %dma_wait3A_140 = tpu.memref_slice %arg8[%add3A_138, %dma_wait3A_139] : memref<81x128xi32, #tpu.memory_space<vmem>> -> memref<1x128xi32, #tpu.memory_space<vmem>>
      %dma_wait3A_141 = tpu.memref_squeeze %dma_wait3A_140 : memref<1x128xi32, #tpu.memory_space<vmem>> -> memref<128xi32, #tpu.memory_space<vmem>>
      %dma_wait3A_142 = arith.constant 0 : i32
      %dma_wait3A_143 = arith.constant 0 : i32
      %dma_wait3A_144 = tpu.memref_slice %arg10[%dma_wait3A_142, %dma_wait3A_143] : memref<10000x64xf32, #tpu.memory_space<vmem_shared>> -> memref<10000x64xf32, #tpu.memory_space<vmem_shared>>
      tpu.wait_indirect_dma semaphore(%arg17 : memref<!tpu.dma_semaphore, #tpu.memory_space<semaphore_mem>>) src(%dma_wait3A_144 : memref<10000x64xf32, #tpu.memory_space<vmem_shared>>) dst(%arg14 : memref<128x64xf32, #tpu.memory_space<vmem>>)
      %dma_start3A_145 = arith.constant 0 : i32
      %dma_start3A_146 = tpu.memref_slice %arg9[%add3A_138, %dma_start3A_145] : memref<81x128xi32, #tpu.memory_space<vmem>> -> memref<1x128xi32, #tpu.memory_space<vmem>>
      %dma_start3A_147 = tpu.memref_squeeze %dma_start3A_146 : memref<1x128xi32, #tpu.memory_space<vmem>> -> memref<128xi32, #tpu.memory_space<vmem>>
      %dma_start3A_148 = arith.constant 0 : i32
      %dma_start3A_149 = arith.constant 0 : i32
      %dma_start3A_150 = tpu.memref_slice %arg11[%dma_start3A_148, %dma_start3A_149] : memref<10240x64xf32, #tpu.memory_space<vmem_shared>> -> memref<10240x64xf32, #tpu.memory_space<vmem_shared>>
      tpu.enqueue_indirect_dma source(%arg14 : memref<128x64xf32, #tpu.memory_space<vmem>>) target(%dma_start3A_150 : memref<10240x64xf32, #tpu.memory_space<vmem_shared>>) offsets(%dma_start3A_147 : memref<128xi32, #tpu.memory_space<vmem>>) semaphore(%arg20 : memref<!tpu.dma_semaphore, #tpu.memory_space<semaphore_mem>>) {add = true}
      %lt3A = arith.constant 26 : i32
      %lt3A_151 = arith.cmpi slt, %scan3A_102, %lt3A : i32
      %convert_element_type3A = arith.extui %lt3A_151 : i1 to i32
      %cond3A = arith.constant 0 : i32
      %cond3A_152 = arith.cmpi ne, %convert_element_type3A, %cond3A : i32
      scf.if %cond3A_152 {
        %mul3A_153 = arith.constant 3 : i32
        %mul3A_154 = arith.muli %mul3A_153, %scan3A_102 : i32
        %add3A_155 = arith.constant 0 : i32
        %add3A_156 = arith.addi %mul3A_154, %add3A_155 : i32
        %dma_wait3A_157 = arith.constant 0 : i32
        %dma_wait3A_158 = tpu.memref_slice %arg9[%add3A_156, %dma_wait3A_157] : memref<81x128xi32, #tpu.memory_space<vmem>> -> memref<1x128xi32, #tpu.memory_space<vmem>>
        %dma_wait3A_159 = tpu.memref_squeeze %dma_wait3A_158 : memref<1x128xi32, #tpu.memory_space<vmem>> -> memref<128xi32, #tpu.memory_space<vmem>>
        %dma_wait3A_160 = arith.constant 0 : i32
        %dma_wait3A_161 = arith.constant 0 : i32
        %dma_wait3A_162 = tpu.memref_slice %arg11[%dma_wait3A_160, %dma_wait3A_161] : memref<10240x64xf32, #tpu.memory_space<vmem_shared>> -> memref<10240x64xf32, #tpu.memory_space<vmem_shared>>
        tpu.wait_indirect_dma semaphore(%arg18 : memref<!tpu.dma_semaphore, #tpu.memory_space<semaphore_mem>>) src(%arg12 : memref<128x64xf32, #tpu.memory_space<vmem>>) dst(%dma_wait3A_162 : memref<10240x64xf32, #tpu.memory_space<vmem_shared>>)
        %add3A_163 = arith.constant 3 : i32
        %add3A_164 = arith.addi %add3A_156, %add3A_163 : i32
        %dma_start3A_165 = arith.constant 0 : i32
        %dma_start3A_166 = tpu.memref_slice %arg8[%add3A_164, %dma_start3A_165] : memref<81x128xi32, #tpu.memory_space<vmem>> -> memref<1x128xi32, #tpu.memory_space<vmem>>
        %dma_start3A_167 = tpu.memref_squeeze %dma_start3A_166 : memref<1x128xi32, #tpu.memory_space<vmem>> -> memref<128xi32, #tpu.memory_space<vmem>>
        %dma_start3A_168 = arith.constant 0 : i32
        %dma_start3A_169 = arith.constant 0 : i32
        %dma_start3A_170 = tpu.memref_slice %arg10[%dma_start3A_168, %dma_start3A_169] : memref<10000x64xf32, #tpu.memory_space<vmem_shared>> -> memref<10000x64xf32, #tpu.memory_space<vmem_shared>>
        tpu.enqueue_indirect_dma source(%dma_start3A_170 : memref<10000x64xf32, #tpu.memory_space<vmem_shared>>) target(%arg12 : memref<128x64xf32, #tpu.memory_space<vmem>>) offsets(%dma_start3A_167 : memref<128xi32, #tpu.memory_space<vmem>>) semaphore(%arg15 : memref<!tpu.dma_semaphore, #tpu.memory_space<semaphore_mem>>)
        %mul3A_171 = arith.constant 3 : i32
        %mul3A_172 = arith.muli %mul3A_171, %scan3A_102 : i32
        %add3A_173 = arith.constant 1 : i32
        %add3A_174 = arith.addi %mul3A_172, %add3A_173 : i32
        %dma_wait3A_175 = arith.constant 0 : i32
        %dma_wait3A_176 = tpu.memref_slice %arg9[%add3A_174, %dma_wait3A_175] : memref<81x128xi32, #tpu.memory_space<vmem>> -> memref<1x128xi32, #tpu.memory_space<vmem>>
        %dma_wait3A_177 = tpu.memref_squeeze %dma_wait3A_176 : memref<1x128xi32, #tpu.memory_space<vmem>> -> memref<128xi32, #tpu.memory_space<vmem>>
        %dma_wait3A_178 = arith.constant 0 : i32
        %dma_wait3A_179 = arith.constant 0 : i32
        %dma_wait3A_180 = tpu.memref_slice %arg11[%dma_wait3A_178, %dma_wait3A_179] : memref<10240x64xf32, #tpu.memory_space<vmem_shared>> -> memref<10240x64xf32, #tpu.memory_space<vmem_shared>>
        tpu.wait_indirect_dma semaphore(%arg19 : memref<!tpu.dma_semaphore, #tpu.memory_space<semaphore_mem>>) src(%arg13 : memref<128x64xf32, #tpu.memory_space<vmem>>) dst(%dma_wait3A_180 : memref<10240x64xf32, #tpu.memory_space<vmem_shared>>)
        %add3A_181 = arith.constant 3 : i32
        %add3A_182 = arith.addi %add3A_174, %add3A_181 : i32
        %dma_start3A_183 = arith.constant 0 : i32
        %dma_start3A_184 = tpu.memref_slice %arg8[%add3A_182, %dma_start3A_183] : memref<81x128xi32, #tpu.memory_space<vmem>> -> memref<1x128xi32, #tpu.memory_space<vmem>>
        %dma_start3A_185 = tpu.memref_squeeze %dma_start3A_184 : memref<1x128xi32, #tpu.memory_space<vmem>> -> memref<128xi32, #tpu.memory_space<vmem>>
        %dma_start3A_186 = arith.constant 0 : i32
        %dma_start3A_187 = arith.constant 0 : i32
        %dma_start3A_188 = tpu.memref_slice %arg10[%dma_start3A_186, %dma_start3A_187] : memref<10000x64xf32, #tpu.memory_space<vmem_shared>> -> memref<10000x64xf32, #tpu.memory_space<vmem_shared>>
        tpu.enqueue_indirect_dma source(%dma_start3A_188 : memref<10000x64xf32, #tpu.memory_space<vmem_shared>>) target(%arg13 : memref<128x64xf32, #tpu.memory_space<vmem>>) offsets(%dma_start3A_185 : memref<128xi32, #tpu.memory_space<vmem>>) semaphore(%arg16 : memref<!tpu.dma_semaphore, #tpu.memory_space<semaphore_mem>>)
        %mul3A_189 = arith.constant 3 : i32
        %mul3A_190 = arith.muli %mul3A_189, %scan3A_102 : i32
        %add3A_191 = arith.constant 2 : i32
        %add3A_192 = arith.addi %mul3A_190, %add3A_191 : i32
        %dma_wait3A_193 = arith.constant 0 : i32
        %dma_wait3A_194 = tpu.memref_slice %arg9[%add3A_192, %dma_wait3A_193] : memref<81x128xi32, #tpu.memory_space<vmem>> -> memref<1x128xi32, #tpu.memory_space<vmem>>
        %dma_wait3A_195 = tpu.memref_squeeze %dma_wait3A_194 : memref<1x128xi32, #tpu.memory_space<vmem>> -> memref<128xi32, #tpu.memory_space<vmem>>
        %dma_wait3A_196 = arith.constant 0 : i32
        %dma_wait3A_197 = arith.constant 0 : i32
        %dma_wait3A_198 = tpu.memref_slice %arg11[%dma_wait3A_196, %dma_wait3A_197] : memref<10240x64xf32, #tpu.memory_space<vmem_shared>> -> memref<10240x64xf32, #tpu.memory_space<vmem_shared>>
        tpu.wait_indirect_dma semaphore(%arg20 : memref<!tpu.dma_semaphore, #tpu.memory_space<semaphore_mem>>) src(%arg14 : memref<128x64xf32, #tpu.memory_space<vmem>>) dst(%dma_wait3A_198 : memref<10240x64xf32, #tpu.memory_space<vmem_shared>>)
        %add3A_199 = arith.constant 3 : i32
        %add3A_200 = arith.addi %add3A_192, %add3A_199 : i32
        %dma_start3A_201 = arith.constant 0 : i32
        %dma_start3A_202 = tpu.memref_slice %arg8[%add3A_200, %dma_start3A_201] : memref<81x128xi32, #tpu.memory_space<vmem>> -> memref<1x128xi32, #tpu.memory_space<vmem>>
        %dma_start3A_203 = tpu.memref_squeeze %dma_start3A_202 : memref<1x128xi32, #tpu.memory_space<vmem>> -> memref<128xi32, #tpu.memory_space<vmem>>
        %dma_start3A_204 = arith.constant 0 : i32
        %dma_start3A_205 = arith.constant 0 : i32
        %dma_start3A_206 = tpu.memref_slice %arg10[%dma_start3A_204, %dma_start3A_205] : memref<10000x64xf32, #tpu.memory_space<vmem_shared>> -> memref<10000x64xf32, #tpu.memory_space<vmem_shared>>
        tpu.enqueue_indirect_dma source(%dma_start3A_206 : memref<10000x64xf32, #tpu.memory_space<vmem_shared>>) target(%arg14 : memref<128x64xf32, #tpu.memory_space<vmem>>) offsets(%dma_start3A_203 : memref<128xi32, #tpu.memory_space<vmem>>) semaphore(%arg17 : memref<!tpu.dma_semaphore, #tpu.memory_space<semaphore_mem>>)
      } else {
      }
    }
    %scan3A_29 = arith.constant 27 : i32
    %dma_wait3A = arith.constant 78 : i32
    %dma_wait3A_30 = arith.constant 0 : i32
    %dma_wait3A_31 = tpu.memref_slice %arg9[%dma_wait3A, %dma_wait3A_30] : memref<81x128xi32, #tpu.memory_space<vmem>> -> memref<1x128xi32, #tpu.memory_space<vmem>>
    %dma_wait3A_32 = tpu.memref_squeeze %dma_wait3A_31 : memref<1x128xi32, #tpu.memory_space<vmem>> -> memref<128xi32, #tpu.memory_space<vmem>>
    %dma_wait3A_33 = arith.constant 0 : i32
    %dma_wait3A_34 = arith.constant 0 : i32
    %dma_wait3A_35 = tpu.memref_slice %arg11[%dma_wait3A_33, %dma_wait3A_34] : memref<10240x64xf32, #tpu.memory_space<vmem_shared>> -> memref<10240x64xf32, #tpu.memory_space<vmem_shared>>
    tpu.wait_indirect_dma semaphore(%arg18 : memref<!tpu.dma_semaphore, #tpu.memory_space<semaphore_mem>>) src(%arg12 : memref<128x64xf32, #tpu.memory_space<vmem>>) dst(%dma_wait3A_35 : memref<10240x64xf32, #tpu.memory_space<vmem_shared>>)
    %dma_wait3A_36 = arith.constant 79 : i32
    %dma_wait3A_37 = arith.constant 0 : i32
    %dma_wait3A_38 = tpu.memref_slice %arg9[%dma_wait3A_36, %dma_wait3A_37] : memref<81x128xi32, #tpu.memory_space<vmem>> -> memref<1x128xi32, #tpu.memory_space<vmem>>
    %dma_wait3A_39 = tpu.memref_squeeze %dma_wait3A_38 : memref<1x128xi32, #tpu.memory_space<vmem>> -> memref<128xi32, #tpu.memory_space<vmem>>
    %dma_wait3A_40 = arith.constant 0 : i32
    %dma_wait3A_41 = arith.constant 0 : i32
    %dma_wait3A_42 = tpu.memref_slice %arg11[%dma_wait3A_40, %dma_wait3A_41] : memref<10240x64xf32, #tpu.memory_space<vmem_shared>> -> memref<10240x64xf32, #tpu.memory_space<vmem_shared>>
    tpu.wait_indirect_dma semaphore(%arg19 : memref<!tpu.dma_semaphore, #tpu.memory_space<semaphore_mem>>) src(%arg13 : memref<128x64xf32, #tpu.memory_space<vmem>>) dst(%dma_wait3A_42 : memref<10240x64xf32, #tpu.memory_space<vmem_shared>>)
    %dma_wait3A_43 = arith.constant 80 : i32
    %dma_wait3A_44 = arith.constant 0 : i32
    %dma_wait3A_45 = tpu.memref_slice %arg9[%dma_wait3A_43, %dma_wait3A_44] : memref<81x128xi32, #tpu.memory_space<vmem>> -> memref<1x128xi32, #tpu.memory_space<vmem>>
    %dma_wait3A_46 = tpu.memref_squeeze %dma_wait3A_45 : memref<1x128xi32, #tpu.memory_space<vmem>> -> memref<128xi32, #tpu.memory_space<vmem>>
    %dma_wait3A_47 = arith.constant 0 : i32
    %dma_wait3A_48 = arith.constant 0 : i32
    %dma_wait3A_49 = tpu.memref_slice %arg11[%dma_wait3A_47, %dma_wait3A_48] : memref<10240x64xf32, #tpu.memory_space<vmem_shared>> -> memref<10240x64xf32, #tpu.memory_space<vmem_shared>>
    tpu.wait_indirect_dma semaphore(%arg20 : memref<!tpu.dma_semaphore, #tpu.memory_space<semaphore_mem>>) src(%arg14 : memref<128x64xf32, #tpu.memory_space<vmem>>) dst(%dma_wait3A_49 : memref<10240x64xf32, #tpu.memory_space<vmem_shared>>)
    %barrier3A_50 = arith.constant 0 : index
    tpu.barrier barrier_id(%barrier3A_50)
    %run_scoped3A = arith.constant 0 : i32
    "tpu.region"() ({
      %run_scoped3A_102 = tpu.sem_alloc : memref<!tpu.dma_semaphore, #tpu.memory_space<semaphore_mem>>
      %dma_start3A_103 = arith.constant 0 : i32
      %dma_start3A_104 = tpu.memref_slice %arg7[%run_scoped3A, %arg0, %mul3A_2, %dma_start3A_103] : memref<2x2x10240x64xf32, #tpu.memory_space<hbm>> -> memref<1x1x640x64xf32, #tpu.memory_space<hbm>>
      %dma_start3A_105 = tpu.memref_squeeze %dma_start3A_104 : memref<1x1x640x64xf32, #tpu.memory_space<hbm>> -> memref<640x64xf32, #tpu.memory_space<hbm>>
      %dma_start3A_106 = arith.constant 0 : i32
      %dma_start3A_107 = tpu.memref_slice %arg11[%mul3A_2, %dma_start3A_106] : memref<10240x64xf32, #tpu.memory_space<vmem_shared>> -> memref<640x64xf32, #tpu.memory_space<vmem_shared>>
      tpu.enqueue_dma source(%dma_start3A_107 : memref<640x64xf32, #tpu.memory_space<vmem_shared>>) target(%dma_start3A_105 : memref<640x64xf32, #tpu.memory_space<hbm>>) target_semaphore(%run_scoped3A_102 : memref<!tpu.dma_semaphore, #tpu.memory_space<semaphore_mem>>)
      %dma_wait3A_108 = arith.constant 0 : i32
      %dma_wait3A_109 = tpu.memref_slice %arg7[%run_scoped3A, %arg0, %mul3A_2, %dma_wait3A_108] : memref<2x2x10240x64xf32, #tpu.memory_space<hbm>> -> memref<1x1x640x64xf32, #tpu.memory_space<hbm>>
      %dma_wait3A_110 = tpu.memref_squeeze %dma_wait3A_109 : memref<1x1x640x64xf32, #tpu.memory_space<hbm>> -> memref<640x64xf32, #tpu.memory_space<hbm>>
      %dma_wait3A_111 = arith.constant 0 : i32
      %dma_wait3A_112 = tpu.memref_slice %arg11[%mul3A_2, %dma_wait3A_111] : memref<10240x64xf32, #tpu.memory_space<vmem_shared>> -> memref<640x64xf32, #tpu.memory_space<vmem_shared>>
      tpu.wait_dma2 semaphore(%run_scoped3A_102 : memref<!tpu.dma_semaphore, #tpu.memory_space<semaphore_mem>>) src(%dma_wait3A_112 : memref<640x64xf32, #tpu.memory_space<vmem_shared>>) dst(%dma_wait3A_110 : memref<640x64xf32, #tpu.memory_space<hbm>>)
      tpu.yield
    }) : () -> ()
    "tpu.region"() ({
      %run_scoped3A_102 = tpu.sem_alloc : memref<!tpu.dma_semaphore, #tpu.memory_space<semaphore_mem>>
      %dma_start3A_103 = arith.constant 0 : i32
      %dma_start3A_104 = tpu.memref_slice %arg10[%mul3A_4, %dma_start3A_103] : memref<10000x64xf32, #tpu.memory_space<vmem_shared>> -> memref<625x64xf32, #tpu.memory_space<vmem_shared>>
      %dma_start3A_105 = arith.constant 0 : i32
      %dma_start3A_106 = tpu.memref_slice %arg5[%mul3A_4, %dma_start3A_105] : memref<10000x64xf32, #tpu.memory_space<hbm>> -> memref<625x64xf32, #tpu.memory_space<hbm>>
      tpu.enqueue_dma source(%dma_start3A_106 : memref<625x64xf32, #tpu.memory_space<hbm>>) target(%dma_start3A_104 : memref<625x64xf32, #tpu.memory_space<vmem_shared>>) target_semaphore(%run_scoped3A_102 : memref<!tpu.dma_semaphore, #tpu.memory_space<semaphore_mem>>)
      %dma_wait3A_107 = arith.constant 0 : i32
      %dma_wait3A_108 = tpu.memref_slice %arg10[%mul3A_4, %dma_wait3A_107] : memref<10000x64xf32, #tpu.memory_space<vmem_shared>> -> memref<625x64xf32, #tpu.memory_space<vmem_shared>>
      %dma_wait3A_109 = arith.constant 0 : i32
      %dma_wait3A_110 = tpu.memref_slice %arg5[%mul3A_4, %dma_wait3A_109] : memref<10000x64xf32, #tpu.memory_space<hbm>> -> memref<625x64xf32, #tpu.memory_space<hbm>>
      tpu.wait_dma2 semaphore(%run_scoped3A_102 : memref<!tpu.dma_semaphore, #tpu.memory_space<semaphore_mem>>) src(%dma_wait3A_110 : memref<625x64xf32, #tpu.memory_space<hbm>>) dst(%dma_wait3A_108 : memref<625x64xf32, #tpu.memory_space<vmem_shared>>)
      tpu.yield
    }) : () -> ()
    "tpu.region"() ({
      %run_scoped3A_102 = tpu.sem_alloc : memref<!tpu.dma_semaphore, #tpu.memory_space<semaphore_mem>>
      %dma_start3A_103 = arith.constant 0 : i32
      %dma_start3A_104 = tpu.memref_slice %arg11[%mul3A_2, %dma_start3A_103] : memref<10240x64xf32, #tpu.memory_space<vmem_shared>> -> memref<640x64xf32, #tpu.memory_space<vmem_shared>>
      %dma_start3A_105 = arith.constant 0 : i32
      %dma_start3A_106 = tpu.memref_slice %arg6[%mul3A_2, %dma_start3A_105] : memref<10240x64xf32, #tpu.memory_space<hbm>> -> memref<640x64xf32, #tpu.memory_space<hbm>>
      tpu.enqueue_dma source(%dma_start3A_106 : memref<640x64xf32, #tpu.memory_space<hbm>>) target(%dma_start3A_104 : memref<640x64xf32, #tpu.memory_space<vmem_shared>>) target_semaphore(%run_scoped3A_102 : memref<!tpu.dma_semaphore, #tpu.memory_space<semaphore_mem>>)
      %dma_wait3A_107 = arith.constant 0 : i32
      %dma_wait3A_108 = tpu.memref_slice %arg11[%mul3A_2, %dma_wait3A_107] : memref<10240x64xf32, #tpu.memory_space<vmem_shared>> -> memref<640x64xf32, #tpu.memory_space<vmem_shared>>
      %dma_wait3A_109 = arith.constant 0 : i32
      %dma_wait3A_110 = tpu.memref_slice %arg6[%mul3A_2, %dma_wait3A_109] : memref<10240x64xf32, #tpu.memory_space<hbm>> -> memref<640x64xf32, #tpu.memory_space<hbm>>
      tpu.wait_dma2 semaphore(%run_scoped3A_102 : memref<!tpu.dma_semaphore, #tpu.memory_space<semaphore_mem>>) src(%dma_wait3A_110 : memref<640x64xf32, #tpu.memory_space<hbm>>) dst(%dma_wait3A_108 : memref<640x64xf32, #tpu.memory_space<vmem_shared>>)
      tpu.yield
    }) : () -> ()
    %barrier3A_51 = arith.constant 0 : index
    tpu.barrier barrier_id(%barrier3A_51)
    %dma_start3A_52 = arith.constant 0 : i32
    %dma_start3A_53 = arith.constant 0 : i32
    %dma_start3A_54 = tpu.memref_slice %arg8[%dma_start3A_52, %dma_start3A_53] : memref<81x128xi32, #tpu.memory_space<vmem>> -> memref<1x128xi32, #tpu.memory_space<vmem>>
    %dma_start3A_55 = tpu.memref_squeeze %dma_start3A_54 : memref<1x128xi32, #tpu.memory_space<vmem>> -> memref<128xi32, #tpu.memory_space<vmem>>
    %dma_start3A_56 = arith.constant 0 : i32
    %dma_start3A_57 = arith.constant 0 : i32
    %dma_start3A_58 = tpu.memref_slice %arg10[%dma_start3A_56, %dma_start3A_57] : memref<10000x64xf32, #tpu.memory_space<vmem_shared>> -> memref<10000x64xf32, #tpu.memory_space<vmem_shared>>
    tpu.enqueue_indirect_dma source(%dma_start3A_58 : memref<10000x64xf32, #tpu.memory_space<vmem_shared>>) target(%arg12 : memref<128x64xf32, #tpu.memory_space<vmem>>) offsets(%dma_start3A_55 : memref<128xi32, #tpu.memory_space<vmem>>) semaphore(%arg15 : memref<!tpu.dma_semaphore, #tpu.memory_space<semaphore_mem>>)
    %dma_start3A_59 = arith.constant 1 : i32
    %dma_start3A_60 = arith.constant 0 : i32
    %dma_start3A_61 = tpu.memref_slice %arg8[%dma_start3A_59, %dma_start3A_60] : memref<81x128xi32, #tpu.memory_space<vmem>> -> memref<1x128xi32, #tpu.memory_space<vmem>>
    %dma_start3A_62 = tpu.memref_squeeze %dma_start3A_61 : memref<1x128xi32, #tpu.memory_space<vmem>> -> memref<128xi32, #tpu.memory_space<vmem>>
    %dma_start3A_63 = arith.constant 0 : i32
    %dma_start3A_64 = arith.constant 0 : i32
    %dma_start3A_65 = tpu.memref_slice %arg10[%dma_start3A_63, %dma_start3A_64] : memref<10000x64xf32, #tpu.memory_space<vmem_shared>> -> memref<10000x64xf32, #tpu.memory_space<vmem_shared>>
    tpu.enqueue_indirect_dma source(%dma_start3A_65 : memref<10000x64xf32, #tpu.memory_space<vmem_shared>>) target(%arg13 : memref<128x64xf32, #tpu.memory_space<vmem>>) offsets(%dma_start3A_62 : memref<128xi32, #tpu.memory_space<vmem>>) semaphore(%arg16 : memref<!tpu.dma_semaphore, #tpu.memory_space<semaphore_mem>>)
    %dma_start3A_66 = arith.constant 2 : i32
    %dma_start3A_67 = arith.constant 0 : i32
    %dma_start3A_68 = tpu.memref_slice %arg8[%dma_start3A_66, %dma_start3A_67] : memref<81x128xi32, #tpu.memory_space<vmem>> -> memref<1x128xi32, #tpu.memory_space<vmem>>
    %dma_start3A_69 = tpu.memref_squeeze %dma_start3A_68 : memref<1x128xi32, #tpu.memory_space<vmem>> -> memref<128xi32, #tpu.memory_space<vmem>>
    %dma_start3A_70 = arith.constant 0 : i32
    %dma_start3A_71 = arith.constant 0 : i32
    %dma_start3A_72 = tpu.memref_slice %arg10[%dma_start3A_70, %dma_start3A_71] : memref<10000x64xf32, #tpu.memory_space<vmem_shared>> -> memref<10000x64xf32, #tpu.memory_space<vmem_shared>>
    tpu.enqueue_indirect_dma source(%dma_start3A_72 : memref<10000x64xf32, #tpu.memory_space<vmem_shared>>) target(%arg14 : memref<128x64xf32, #tpu.memory_space<vmem>>) offsets(%dma_start3A_69 : memref<128xi32, #tpu.memory_space<vmem>>) semaphore(%arg17 : memref<!tpu.dma_semaphore, #tpu.memory_space<semaphore_mem>>)
    %scan3A_73 = arith.constant 0 : i32
    %scan3A_74 = arith.constant 0 : i32
    %scan3A_75 = arith.constant 27 : i32
    %scan3A_76 = arith.addi %scan3A_74, %scan3A_75 : i32
    %scan3A_77 = arith.constant 1 : i32
    scf.for %scan3A_102 = %scan3A_74 to %scan3A_76 step %scan3A_77  : i32 {
      %mul3A_103 = arith.constant 3 : i32
      %mul3A_104 = arith.muli %mul3A_103, %scan3A_102 : i32
      %add3A_105 = arith.constant 0 : i32
      %add3A_106 = arith.addi %mul3A_104, %add3A_105 : i32
      %dma_wait3A_107 = arith.constant 0 : i32
      %dma_wait3A_108 = tpu.memref_slice %arg8[%add3A_106, %dma_wait3A_107] : memref<81x128xi32, #tpu.memory_space<vmem>> -> memref<1x128xi32, #tpu.memory_space<vmem>>
      %dma_wait3A_109 = tpu.memref_squeeze %dma_wait3A_108 : memref<1x128xi32, #tpu.memory_space<vmem>> -> memref<128xi32, #tpu.memory_space<vmem>>
      %dma_wait3A_110 = arith.constant 0 : i32
      %dma_wait3A_111 = arith.constant 0 : i32
      %dma_wait3A_112 = tpu.memref_slice %arg10[%dma_wait3A_110, %dma_wait3A_111] : memref<10000x64xf32, #tpu.memory_space<vmem_shared>> -> memref<10000x64xf32, #tpu.memory_space<vmem_shared>>
      tpu.wait_indirect_dma semaphore(%arg15 : memref<!tpu.dma_semaphore, #tpu.memory_space<semaphore_mem>>) src(%dma_wait3A_112 : memref<10000x64xf32, #tpu.memory_space<vmem_shared>>) dst(%arg12 : memref<128x64xf32, #tpu.memory_space<vmem>>)
      %dma_start3A_113 = arith.constant 0 : i32
      %dma_start3A_114 = tpu.memref_slice %arg9[%add3A_106, %dma_start3A_113] : memref<81x128xi32, #tpu.memory_space<vmem>> -> memref<1x128xi32, #tpu.memory_space<vmem>>
      %dma_start3A_115 = tpu.memref_squeeze %dma_start3A_114 : memref<1x128xi32, #tpu.memory_space<vmem>> -> memref<128xi32, #tpu.memory_space<vmem>>
      %dma_start3A_116 = arith.constant 0 : i32
      %dma_start3A_117 = arith.constant 0 : i32
      %dma_start3A_118 = tpu.memref_slice %arg11[%dma_start3A_116, %dma_start3A_117] : memref<10240x64xf32, #tpu.memory_space<vmem_shared>> -> memref<10240x64xf32, #tpu.memory_space<vmem_shared>>
      tpu.enqueue_indirect_dma source(%arg12 : memref<128x64xf32, #tpu.memory_space<vmem>>) target(%dma_start3A_118 : memref<10240x64xf32, #tpu.memory_space<vmem_shared>>) offsets(%dma_start3A_115 : memref<128xi32, #tpu.memory_space<vmem>>) semaphore(%arg18 : memref<!tpu.dma_semaphore, #tpu.memory_space<semaphore_mem>>) {add = true}
      %mul3A_119 = arith.constant 3 : i32
      %mul3A_120 = arith.muli %mul3A_119, %scan3A_102 : i32
      %add3A_121 = arith.constant 1 : i32
      %add3A_122 = arith.addi %mul3A_120, %add3A_121 : i32
      %dma_wait3A_123 = arith.constant 0 : i32
      %dma_wait3A_124 = tpu.memref_slice %arg8[%add3A_122, %dma_wait3A_123] : memref<81x128xi32, #tpu.memory_space<vmem>> -> memref<1x128xi32, #tpu.memory_space<vmem>>
      %dma_wait3A_125 = tpu.memref_squeeze %dma_wait3A_124 : memref<1x128xi32, #tpu.memory_space<vmem>> -> memref<128xi32, #tpu.memory_space<vmem>>
      %dma_wait3A_126 = arith.constant 0 : i32
      %dma_wait3A_127 = arith.constant 0 : i32
      %dma_wait3A_128 = tpu.memref_slice %arg10[%dma_wait3A_126, %dma_wait3A_127] : memref<10000x64xf32, #tpu.memory_space<vmem_shared>> -> memref<10000x64xf32, #tpu.memory_space<vmem_shared>>
      tpu.wait_indirect_dma semaphore(%arg16 : memref<!tpu.dma_semaphore, #tpu.memory_space<semaphore_mem>>) src(%dma_wait3A_128 : memref<10000x64xf32, #tpu.memory_space<vmem_shared>>) dst(%arg13 : memref<128x64xf32, #tpu.memory_space<vmem>>)
      %dma_start3A_129 = arith.constant 0 : i32
      %dma_start3A_130 = tpu.memref_slice %arg9[%add3A_122, %dma_start3A_129] : memref<81x128xi32, #tpu.memory_space<vmem>> -> memref<1x128xi32, #tpu.memory_space<vmem>>
      %dma_start3A_131 = tpu.memref_squeeze %dma_start3A_130 : memref<1x128xi32, #tpu.memory_space<vmem>> -> memref<128xi32, #tpu.memory_space<vmem>>
      %dma_start3A_132 = arith.constant 0 : i32
      %dma_start3A_133 = arith.constant 0 : i32
      %dma_start3A_134 = tpu.memref_slice %arg11[%dma_start3A_132, %dma_start3A_133] : memref<10240x64xf32, #tpu.memory_space<vmem_shared>> -> memref<10240x64xf32, #tpu.memory_space<vmem_shared>>
      tpu.enqueue_indirect_dma source(%arg13 : memref<128x64xf32, #tpu.memory_space<vmem>>) target(%dma_start3A_134 : memref<10240x64xf32, #tpu.memory_space<vmem_shared>>) offsets(%dma_start3A_131 : memref<128xi32, #tpu.memory_space<vmem>>) semaphore(%arg19 : memref<!tpu.dma_semaphore, #tpu.memory_space<semaphore_mem>>) {add = true}
      %mul3A_135 = arith.constant 3 : i32
      %mul3A_136 = arith.muli %mul3A_135, %scan3A_102 : i32
      %add3A_137 = arith.constant 2 : i32
      %add3A_138 = arith.addi %mul3A_136, %add3A_137 : i32
      %dma_wait3A_139 = arith.constant 0 : i32
      %dma_wait3A_140 = tpu.memref_slice %arg8[%add3A_138, %dma_wait3A_139] : memref<81x128xi32, #tpu.memory_space<vmem>> -> memref<1x128xi32, #tpu.memory_space<vmem>>
      %dma_wait3A_141 = tpu.memref_squeeze %dma_wait3A_140 : memref<1x128xi32, #tpu.memory_space<vmem>> -> memref<128xi32, #tpu.memory_space<vmem>>
      %dma_wait3A_142 = arith.constant 0 : i32
      %dma_wait3A_143 = arith.constant 0 : i32
      %dma_wait3A_144 = tpu.memref_slice %arg10[%dma_wait3A_142, %dma_wait3A_143] : memref<10000x64xf32, #tpu.memory_space<vmem_shared>> -> memref<10000x64xf32, #tpu.memory_space<vmem_shared>>
      tpu.wait_indirect_dma semaphore(%arg17 : memref<!tpu.dma_semaphore, #tpu.memory_space<semaphore_mem>>) src(%dma_wait3A_144 : memref<10000x64xf32, #tpu.memory_space<vmem_shared>>) dst(%arg14 : memref<128x64xf32, #tpu.memory_space<vmem>>)
      %dma_start3A_145 = arith.constant 0 : i32
      %dma_start3A_146 = tpu.memref_slice %arg9[%add3A_138, %dma_start3A_145] : memref<81x128xi32, #tpu.memory_space<vmem>> -> memref<1x128xi32, #tpu.memory_space<vmem>>
      %dma_start3A_147 = tpu.memref_squeeze %dma_start3A_146 : memref<1x128xi32, #tpu.memory_space<vmem>> -> memref<128xi32, #tpu.memory_space<vmem>>
      %dma_start3A_148 = arith.constant 0 : i32
      %dma_start3A_149 = arith.constant 0 : i32
      %dma_start3A_150 = tpu.memref_slice %arg11[%dma_start3A_148, %dma_start3A_149] : memref<10240x64xf32, #tpu.memory_space<vmem_shared>> -> memref<10240x64xf32, #tpu.memory_space<vmem_shared>>
      tpu.enqueue_indirect_dma source(%arg14 : memref<128x64xf32, #tpu.memory_space<vmem>>) target(%dma_start3A_150 : memref<10240x64xf32, #tpu.memory_space<vmem_shared>>) offsets(%dma_start3A_147 : memref<128xi32, #tpu.memory_space<vmem>>) semaphore(%arg20 : memref<!tpu.dma_semaphore, #tpu.memory_space<semaphore_mem>>) {add = true}
      %lt3A = arith.constant 26 : i32
      %lt3A_151 = arith.cmpi slt, %scan3A_102, %lt3A : i32
      %convert_element_type3A = arith.extui %lt3A_151 : i1 to i32
      %cond3A = arith.constant 0 : i32
      %cond3A_152 = arith.cmpi ne, %convert_element_type3A, %cond3A : i32
      scf.if %cond3A_152 {
        %mul3A_153 = arith.constant 3 : i32
        %mul3A_154 = arith.muli %mul3A_153, %scan3A_102 : i32
        %add3A_155 = arith.constant 0 : i32
        %add3A_156 = arith.addi %mul3A_154, %add3A_155 : i32
        %dma_wait3A_157 = arith.constant 0 : i32
        %dma_wait3A_158 = tpu.memref_slice %arg9[%add3A_156, %dma_wait3A_157] : memref<81x128xi32, #tpu.memory_space<vmem>> -> memref<1x128xi32, #tpu.memory_space<vmem>>
        %dma_wait3A_159 = tpu.memref_squeeze %dma_wait3A_158 : memref<1x128xi32, #tpu.memory_space<vmem>> -> memref<128xi32, #tpu.memory_space<vmem>>
        %dma_wait3A_160 = arith.constant 0 : i32
        %dma_wait3A_161 = arith.constant 0 : i32
        %dma_wait3A_162 = tpu.memref_slice %arg11[%dma_wait3A_160, %dma_wait3A_161] : memref<10240x64xf32, #tpu.memory_space<vmem_shared>> -> memref<10240x64xf32, #tpu.memory_space<vmem_shared>>
        tpu.wait_indirect_dma semaphore(%arg18 : memref<!tpu.dma_semaphore, #tpu.memory_space<semaphore_mem>>) src(%arg12 : memref<128x64xf32, #tpu.memory_space<vmem>>) dst(%dma_wait3A_162 : memref<10240x64xf32, #tpu.memory_space<vmem_shared>>)
        %add3A_163 = arith.constant 3 : i32
        %add3A_164 = arith.addi %add3A_156, %add3A_163 : i32
        %dma_start3A_165 = arith.constant 0 : i32
        %dma_start3A_166 = tpu.memref_slice %arg8[%add3A_164, %dma_start3A_165] : memref<81x128xi32, #tpu.memory_space<vmem>> -> memref<1x128xi32, #tpu.memory_space<vmem>>
        %dma_start3A_167 = tpu.memref_squeeze %dma_start3A_166 : memref<1x128xi32, #tpu.memory_space<vmem>> -> memref<128xi32, #tpu.memory_space<vmem>>
        %dma_start3A_168 = arith.constant 0 : i32
        %dma_start3A_169 = arith.constant 0 : i32
        %dma_start3A_170 = tpu.memref_slice %arg10[%dma_start3A_168, %dma_start3A_169] : memref<10000x64xf32, #tpu.memory_space<vmem_shared>> -> memref<10000x64xf32, #tpu.memory_space<vmem_shared>>
        tpu.enqueue_indirect_dma source(%dma_start3A_170 : memref<10000x64xf32, #tpu.memory_space<vmem_shared>>) target(%arg12 : memref<128x64xf32, #tpu.memory_space<vmem>>) offsets(%dma_start3A_167 : memref<128xi32, #tpu.memory_space<vmem>>) semaphore(%arg15 : memref<!tpu.dma_semaphore, #tpu.memory_space<semaphore_mem>>)
        %mul3A_171 = arith.constant 3 : i32
        %mul3A_172 = arith.muli %mul3A_171, %scan3A_102 : i32
        %add3A_173 = arith.constant 1 : i32
        %add3A_174 = arith.addi %mul3A_172, %add3A_173 : i32
        %dma_wait3A_175 = arith.constant 0 : i32
        %dma_wait3A_176 = tpu.memref_slice %arg9[%add3A_174, %dma_wait3A_175] : memref<81x128xi32, #tpu.memory_space<vmem>> -> memref<1x128xi32, #tpu.memory_space<vmem>>
        %dma_wait3A_177 = tpu.memref_squeeze %dma_wait3A_176 : memref<1x128xi32, #tpu.memory_space<vmem>> -> memref<128xi32, #tpu.memory_space<vmem>>
        %dma_wait3A_178 = arith.constant 0 : i32
        %dma_wait3A_179 = arith.constant 0 : i32
        %dma_wait3A_180 = tpu.memref_slice %arg11[%dma_wait3A_178, %dma_wait3A_179] : memref<10240x64xf32, #tpu.memory_space<vmem_shared>> -> memref<10240x64xf32, #tpu.memory_space<vmem_shared>>
        tpu.wait_indirect_dma semaphore(%arg19 : memref<!tpu.dma_semaphore, #tpu.memory_space<semaphore_mem>>) src(%arg13 : memref<128x64xf32, #tpu.memory_space<vmem>>) dst(%dma_wait3A_180 : memref<10240x64xf32, #tpu.memory_space<vmem_shared>>)
        %add3A_181 = arith.constant 3 : i32
        %add3A_182 = arith.addi %add3A_174, %add3A_181 : i32
        %dma_start3A_183 = arith.constant 0 : i32
        %dma_start3A_184 = tpu.memref_slice %arg8[%add3A_182, %dma_start3A_183] : memref<81x128xi32, #tpu.memory_space<vmem>> -> memref<1x128xi32, #tpu.memory_space<vmem>>
        %dma_start3A_185 = tpu.memref_squeeze %dma_start3A_184 : memref<1x128xi32, #tpu.memory_space<vmem>> -> memref<128xi32, #tpu.memory_space<vmem>>
        %dma_start3A_186 = arith.constant 0 : i32
        %dma_start3A_187 = arith.constant 0 : i32
        %dma_start3A_188 = tpu.memref_slice %arg10[%dma_start3A_186, %dma_start3A_187] : memref<10000x64xf32, #tpu.memory_space<vmem_shared>> -> memref<10000x64xf32, #tpu.memory_space<vmem_shared>>
        tpu.enqueue_indirect_dma source(%dma_start3A_188 : memref<10000x64xf32, #tpu.memory_space<vmem_shared>>) target(%arg13 : memref<128x64xf32, #tpu.memory_space<vmem>>) offsets(%dma_start3A_185 : memref<128xi32, #tpu.memory_space<vmem>>) semaphore(%arg16 : memref<!tpu.dma_semaphore, #tpu.memory_space<semaphore_mem>>)
        %mul3A_189 = arith.constant 3 : i32
        %mul3A_190 = arith.muli %mul3A_189, %scan3A_102 : i32
        %add3A_191 = arith.constant 2 : i32
        %add3A_192 = arith.addi %mul3A_190, %add3A_191 : i32
        %dma_wait3A_193 = arith.constant 0 : i32
        %dma_wait3A_194 = tpu.memref_slice %arg9[%add3A_192, %dma_wait3A_193] : memref<81x128xi32, #tpu.memory_space<vmem>> -> memref<1x128xi32, #tpu.memory_space<vmem>>
        %dma_wait3A_195 = tpu.memref_squeeze %dma_wait3A_194 : memref<1x128xi32, #tpu.memory_space<vmem>> -> memref<128xi32, #tpu.memory_space<vmem>>
        %dma_wait3A_196 = arith.constant 0 : i32
        %dma_wait3A_197 = arith.constant 0 : i32
        %dma_wait3A_198 = tpu.memref_slice %arg11[%dma_wait3A_196, %dma_wait3A_197] : memref<10240x64xf32, #tpu.memory_space<vmem_shared>> -> memref<10240x64xf32, #tpu.memory_space<vmem_shared>>
        tpu.wait_indirect_dma semaphore(%arg20 : memref<!tpu.dma_semaphore, #tpu.memory_space<semaphore_mem>>) src(%arg14 : memref<128x64xf32, #tpu.memory_space<vmem>>) dst(%dma_wait3A_198 : memref<10240x64xf32, #tpu.memory_space<vmem_shared>>)
        %add3A_199 = arith.constant 3 : i32
        %add3A_200 = arith.addi %add3A_192, %add3A_199 : i32
        %dma_start3A_201 = arith.constant 0 : i32
        %dma_start3A_202 = tpu.memref_slice %arg8[%add3A_200, %dma_start3A_201] : memref<81x128xi32, #tpu.memory_space<vmem>> -> memref<1x128xi32, #tpu.memory_space<vmem>>
        %dma_start3A_203 = tpu.memref_squeeze %dma_start3A_202 : memref<1x128xi32, #tpu.memory_space<vmem>> -> memref<128xi32, #tpu.memory_space<vmem>>
        %dma_start3A_204 = arith.constant 0 : i32
        %dma_start3A_205 = arith.constant 0 : i32
        %dma_start3A_206 = tpu.memref_slice %arg10[%dma_start3A_204, %dma_start3A_205] : memref<10000x64xf32, #tpu.memory_space<vmem_shared>> -> memref<10000x64xf32, #tpu.memory_space<vmem_shared>>
        tpu.enqueue_indirect_dma source(%dma_start3A_206 : memref<10000x64xf32, #tpu.memory_space<vmem_shared>>) target(%arg14 : memref<128x64xf32, #tpu.memory_space<vmem>>) offsets(%dma_start3A_203 : memref<128xi32, #tpu.memory_space<vmem>>) semaphore(%arg17 : memref<!tpu.dma_semaphore, #tpu.memory_space<semaphore_mem>>)
      } else {
      }
    }
    %scan3A_78 = arith.constant 27 : i32
    %dma_wait3A_79 = arith.constant 78 : i32
    %dma_wait3A_80 = arith.constant 0 : i32
    %dma_wait3A_81 = tpu.memref_slice %arg9[%dma_wait3A_79, %dma_wait3A_80] : memref<81x128xi32, #tpu.memory_space<vmem>> -> memref<1x128xi32, #tpu.memory_space<vmem>>
    %dma_wait3A_82 = tpu.memref_squeeze %dma_wait3A_81 : memref<1x128xi32, #tpu.memory_space<vmem>> -> memref<128xi32, #tpu.memory_space<vmem>>
    %dma_wait3A_83 = arith.constant 0 : i32
    %dma_wait3A_84 = arith.constant 0 : i32
    %dma_wait3A_85 = tpu.memref_slice %arg11[%dma_wait3A_83, %dma_wait3A_84] : memref<10240x64xf32, #tpu.memory_space<vmem_shared>> -> memref<10240x64xf32, #tpu.memory_space<vmem_shared>>
    tpu.wait_indirect_dma semaphore(%arg18 : memref<!tpu.dma_semaphore, #tpu.memory_space<semaphore_mem>>) src(%arg12 : memref<128x64xf32, #tpu.memory_space<vmem>>) dst(%dma_wait3A_85 : memref<10240x64xf32, #tpu.memory_space<vmem_shared>>)
    %dma_wait3A_86 = arith.constant 79 : i32
    %dma_wait3A_87 = arith.constant 0 : i32
    %dma_wait3A_88 = tpu.memref_slice %arg9[%dma_wait3A_86, %dma_wait3A_87] : memref<81x128xi32, #tpu.memory_space<vmem>> -> memref<1x128xi32, #tpu.memory_space<vmem>>
    %dma_wait3A_89 = tpu.memref_squeeze %dma_wait3A_88 : memref<1x128xi32, #tpu.memory_space<vmem>> -> memref<128xi32, #tpu.memory_space<vmem>>
    %dma_wait3A_90 = arith.constant 0 : i32
    %dma_wait3A_91 = arith.constant 0 : i32
    %dma_wait3A_92 = tpu.memref_slice %arg11[%dma_wait3A_90, %dma_wait3A_91] : memref<10240x64xf32, #tpu.memory_space<vmem_shared>> -> memref<10240x64xf32, #tpu.memory_space<vmem_shared>>
    tpu.wait_indirect_dma semaphore(%arg19 : memref<!tpu.dma_semaphore, #tpu.memory_space<semaphore_mem>>) src(%arg13 : memref<128x64xf32, #tpu.memory_space<vmem>>) dst(%dma_wait3A_92 : memref<10240x64xf32, #tpu.memory_space<vmem_shared>>)
    %dma_wait3A_93 = arith.constant 80 : i32
    %dma_wait3A_94 = arith.constant 0 : i32
    %dma_wait3A_95 = tpu.memref_slice %arg9[%dma_wait3A_93, %dma_wait3A_94] : memref<81x128xi32, #tpu.memory_space<vmem>> -> memref<1x128xi32, #tpu.memory_space<vmem>>
    %dma_wait3A_96 = tpu.memref_squeeze %dma_wait3A_95 : memref<1x128xi32, #tpu.memory_space<vmem>> -> memref<128xi32, #tpu.memory_space<vmem>>
    %dma_wait3A_97 = arith.constant 0 : i32
    %dma_wait3A_98 = arith.constant 0 : i32
    %dma_wait3A_99 = tpu.memref_slice %arg11[%dma_wait3A_97, %dma_wait3A_98] : memref<10240x64xf32, #tpu.memory_space<vmem_shared>> -> memref<10240x64xf32, #tpu.memory_space<vmem_shared>>
    tpu.wait_indirect_dma semaphore(%arg20 : memref<!tpu.dma_semaphore, #tpu.memory_space<semaphore_mem>>) src(%arg14 : memref<128x64xf32, #tpu.memory_space<vmem>>) dst(%dma_wait3A_99 : memref<10240x64xf32, #tpu.memory_space<vmem_shared>>)
    %barrier3A_100 = arith.constant 0 : index
    tpu.barrier barrier_id(%barrier3A_100)
    %run_scoped3A_101 = arith.constant 1 : i32
    "tpu.region"() ({
      %run_scoped3A_102 = tpu.sem_alloc : memref<!tpu.dma_semaphore, #tpu.memory_space<semaphore_mem>>
      %dma_start3A_103 = arith.constant 0 : i32
      %dma_start3A_104 = tpu.memref_slice %arg7[%run_scoped3A_101, %arg0, %mul3A_2, %dma_start3A_103] : memref<2x2x10240x64xf32, #tpu.memory_space<hbm>> -> memref<1x1x640x64xf32, #tpu.memory_space<hbm>>
      %dma_start3A_105 = tpu.memref_squeeze %dma_start3A_104 : memref<1x1x640x64xf32, #tpu.memory_space<hbm>> -> memref<640x64xf32, #tpu.memory_space<hbm>>
      %dma_start3A_106 = arith.constant 0 : i32
      %dma_start3A_107 = tpu.memref_slice %arg11[%mul3A_2, %dma_start3A_106] : memref<10240x64xf32, #tpu.memory_space<vmem_shared>> -> memref<640x64xf32, #tpu.memory_space<vmem_shared>>
      tpu.enqueue_dma source(%dma_start3A_107 : memref<640x64xf32, #tpu.memory_space<vmem_shared>>) target(%dma_start3A_105 : memref<640x64xf32, #tpu.memory_space<hbm>>) target_semaphore(%run_scoped3A_102 : memref<!tpu.dma_semaphore, #tpu.memory_space<semaphore_mem>>)
      %dma_wait3A_108 = arith.constant 0 : i32
      %dma_wait3A_109 = tpu.memref_slice %arg7[%run_scoped3A_101, %arg0, %mul3A_2, %dma_wait3A_108] : memref<2x2x10240x64xf32, #tpu.memory_space<hbm>> -> memref<1x1x640x64xf32, #tpu.memory_space<hbm>>
      %dma_wait3A_110 = tpu.memref_squeeze %dma_wait3A_109 : memref<1x1x640x64xf32, #tpu.memory_space<hbm>> -> memref<640x64xf32, #tpu.memory_space<hbm>>
      %dma_wait3A_111 = arith.constant 0 : i32
      %dma_wait3A_112 = tpu.memref_slice %arg11[%mul3A_2, %dma_wait3A_111] : memref<10240x64xf32, #tpu.memory_space<vmem_shared>> -> memref<640x64xf32, #tpu.memory_space<vmem_shared>>
      tpu.wait_dma2 semaphore(%run_scoped3A_102 : memref<!tpu.dma_semaphore, #tpu.memory_space<semaphore_mem>>) src(%dma_wait3A_112 : memref<640x64xf32, #tpu.memory_space<vmem_shared>>) dst(%dma_wait3A_110 : memref<640x64xf32, #tpu.memory_space<hbm>>)
      tpu.yield
    }) : () -> ()
    return
  }
}

#map = affine_map<(d0, d1) -> (0, 0, 0)>
#map1 = affine_map<(d0, d1) -> (0)>
#map2 = affine_map<(d0, d1) -> (0, 0)>
module attributes {stable_mosaic.version = 14 : i64} {
  func.func @_sc_degree(%arg0: i32, %arg1: i32, %arg2: memref<32x81x128xi32, #tpu.memory_space<hbm>>, %arg3: memref<10240xf32, #tpu.memory_space<hbm>>, %arg4: memref<2x10240xf32, #tpu.memory_space<hbm>>, %arg5: memref<81x128xi32, #tpu.memory_space<vmem>>, %arg6: memref<128xf32, #tpu.memory_space<vmem>>, %arg7: memref<10240xf32, #tpu.memory_space<vmem_shared>>) attributes {dimension_semantics = [#tpu.dimension_semantics<core_parallel>, #tpu.dimension_semantics<subcore_parallel>], iteration_bounds = array<i64: 2, 16>, scalar_prefetch = 0 : i64, scratch_operands = 3 : i64, tpu.core_type = #tpu.core_type<sc_vector_subcore>, window_params = [{transform_indices = #map}, {transform_indices = #map1}, {transform_indices = #map2}]} {
    %mul3A = arith.constant 2 : i32
    %mul3A_0 = arith.muli %arg1, %mul3A : i32
    %add3A = arith.addi %mul3A_0, %arg0 : i32
    "tpu.region"() ({
      %run_scoped3A = tpu.sem_alloc : memref<!tpu.dma_semaphore, #tpu.memory_space<semaphore_mem>>
      %dma_start3A = arith.constant 0 : i32
      %dma_start3A_55 = arith.constant 0 : i32
      %dma_start3A_56 = tpu.memref_slice %arg2[%add3A, %dma_start3A, %dma_start3A_55] : memref<32x81x128xi32, #tpu.memory_space<hbm>> -> memref<1x81x128xi32, #tpu.memory_space<hbm>>
      %dma_start3A_57 = tpu.memref_squeeze %dma_start3A_56 : memref<1x81x128xi32, #tpu.memory_space<hbm>> -> memref<81x128xi32, #tpu.memory_space<hbm>>
      %dma_start3A_58 = arith.constant 0 : i32
      %dma_start3A_59 = arith.constant 0 : i32
      %dma_start3A_60 = tpu.memref_slice %arg2[%add3A, %dma_start3A_58, %dma_start3A_59] : memref<32x81x128xi32, #tpu.memory_space<hbm>> -> memref<1x81x128xi32, #tpu.memory_space<hbm>>
      %dma_start3A_61 = tpu.memref_squeeze %dma_start3A_60 : memref<1x81x128xi32, #tpu.memory_space<hbm>> -> memref<81x128xi32, #tpu.memory_space<hbm>>
      tpu.enqueue_dma source(%dma_start3A_61 : memref<81x128xi32, #tpu.memory_space<hbm>>) target(%arg5 : memref<81x128xi32, #tpu.memory_space<vmem>>) target_semaphore(%run_scoped3A : memref<!tpu.dma_semaphore, #tpu.memory_space<semaphore_mem>>)
      %dma_wait3A = arith.constant 0 : i32
      %dma_wait3A_62 = arith.constant 0 : i32
      %dma_wait3A_63 = tpu.memref_slice %arg2[%add3A, %dma_wait3A, %dma_wait3A_62] : memref<32x81x128xi32, #tpu.memory_space<hbm>> -> memref<1x81x128xi32, #tpu.memory_space<hbm>>
      %dma_wait3A_64 = tpu.memref_squeeze %dma_wait3A_63 : memref<1x81x128xi32, #tpu.memory_space<hbm>> -> memref<81x128xi32, #tpu.memory_space<hbm>>
      %dma_wait3A_65 = arith.constant 0 : i32
      %dma_wait3A_66 = arith.constant 0 : i32
      %dma_wait3A_67 = tpu.memref_slice %arg2[%add3A, %dma_wait3A_65, %dma_wait3A_66] : memref<32x81x128xi32, #tpu.memory_space<hbm>> -> memref<1x81x128xi32, #tpu.memory_space<hbm>>
      %dma_wait3A_68 = tpu.memref_squeeze %dma_wait3A_67 : memref<1x81x128xi32, #tpu.memory_space<hbm>> -> memref<81x128xi32, #tpu.memory_space<hbm>>
      tpu.wait_dma2 semaphore(%run_scoped3A : memref<!tpu.dma_semaphore, #tpu.memory_space<semaphore_mem>>) src(%dma_wait3A_68 : memref<81x128xi32, #tpu.memory_space<hbm>>) dst(%arg5 : memref<81x128xi32, #tpu.memory_space<vmem>>)
      tpu.yield
    }) : () -> ()
    %broadcast_in_dim3A = arith.constant 1.000000e+00 : f32
    %broadcast_in_dim3A_1 = vector.broadcast %broadcast_in_dim3A : f32 to vector<16xf32>
    %swap3A = arith.constant 0 : index
    %swap3A_2 = tpu.vector_load %arg6[%swap3A] {strides = array<i32>} : memref<128xf32, #tpu.memory_space<vmem>>, vector<16xf32>,
    %swap3A_3 = vector.shape_cast %swap3A_2 : vector<16xf32> to vector<16xf32>
    %swap3A_4 = vector.shape_cast %broadcast_in_dim3A_1 : vector<16xf32> to vector<16xf32>
    tpu.vector_store %arg6[%swap3A], %swap3A_4 {strides = array<i32>} : memref<128xf32, #tpu.memory_space<vmem>>, vector<16xf32>,
    %broadcast_in_dim3A_5 = arith.constant 1.000000e+00 : f32
    %broadcast_in_dim3A_6 = vector.broadcast %broadcast_in_dim3A_5 : f32 to vector<16xf32>
    %swap3A_7 = arith.constant 16 : index
    %swap3A_8 = tpu.vector_load %arg6[%swap3A_7] {strides = array<i32>} : memref<128xf32, #tpu.memory_space<vmem>>, vector<16xf32>,
    %swap3A_9 = vector.shape_cast %swap3A_8 : vector<16xf32> to vector<16xf32>
    %swap3A_10 = vector.shape_cast %broadcast_in_dim3A_6 : vector<16xf32> to vector<16xf32>
    tpu.vector_store %arg6[%swap3A_7], %swap3A_10 {strides = array<i32>} : memref<128xf32, #tpu.memory_space<vmem>>, vector<16xf32>,
    %broadcast_in_dim3A_11 = arith.constant 1.000000e+00 : f32
    %broadcast_in_dim3A_12 = vector.broadcast %broadcast_in_dim3A_11 : f32 to vector<16xf32>
    %swap3A_13 = arith.constant 32 : index
    %swap3A_14 = tpu.vector_load %arg6[%swap3A_13] {strides = array<i32>} : memref<128xf32, #tpu.memory_space<vmem>>, vector<16xf32>,
    %swap3A_15 = vector.shape_cast %swap3A_14 : vector<16xf32> to vector<16xf32>
    %swap3A_16 = vector.shape_cast %broadcast_in_dim3A_12 : vector<16xf32> to vector<16xf32>
    tpu.vector_store %arg6[%swap3A_13], %swap3A_16 {strides = array<i32>} : memref<128xf32, #tpu.memory_space<vmem>>, vector<16xf32>,
    %broadcast_in_dim3A_17 = arith.constant 1.000000e+00 : f32
    %broadcast_in_dim3A_18 = vector.broadcast %broadcast_in_dim3A_17 : f32 to vector<16xf32>
    %swap3A_19 = arith.constant 48 : index
    %swap3A_20 = tpu.vector_load %arg6[%swap3A_19] {strides = array<i32>} : memref<128xf32, #tpu.memory_space<vmem>>, vector<16xf32>,
    %swap3A_21 = vector.shape_cast %swap3A_20 : vector<16xf32> to vector<16xf32>
    %swap3A_22 = vector.shape_cast %broadcast_in_dim3A_18 : vector<16xf32> to vector<16xf32>
    tpu.vector_store %arg6[%swap3A_19], %swap3A_22 {strides = array<i32>} : memref<128xf32, #tpu.memory_space<vmem>>, vector<16xf32>,
    %broadcast_in_dim3A_23 = arith.constant 1.000000e+00 : f32
    %broadcast_in_dim3A_24 = vector.broadcast %broadcast_in_dim3A_23 : f32 to vector<16xf32>
    %swap3A_25 = arith.constant 64 : index
    %swap3A_26 = tpu.vector_load %arg6[%swap3A_25] {strides = array<i32>} : memref<128xf32, #tpu.memory_space<vmem>>, vector<16xf32>,
    %swap3A_27 = vector.shape_cast %swap3A_26 : vector<16xf32> to vector<16xf32>
    %swap3A_28 = vector.shape_cast %broadcast_in_dim3A_24 : vector<16xf32> to vector<16xf32>
    tpu.vector_store %arg6[%swap3A_25], %swap3A_28 {strides = array<i32>} : memref<128xf32, #tpu.memory_space<vmem>>, vector<16xf32>,
    %broadcast_in_dim3A_29 = arith.constant 1.000000e+00 : f32
    %broadcast_in_dim3A_30 = vector.broadcast %broadcast_in_dim3A_29 : f32 to vector<16xf32>
    %swap3A_31 = arith.constant 80 : index
    %swap3A_32 = tpu.vector_load %arg6[%swap3A_31] {strides = array<i32>} : memref<128xf32, #tpu.memory_space<vmem>>, vector<16xf32>,
    %swap3A_33 = vector.shape_cast %swap3A_32 : vector<16xf32> to vector<16xf32>
    %swap3A_34 = vector.shape_cast %broadcast_in_dim3A_30 : vector<16xf32> to vector<16xf32>
    tpu.vector_store %arg6[%swap3A_31], %swap3A_34 {strides = array<i32>} : memref<128xf32, #tpu.memory_space<vmem>>, vector<16xf32>,
    %broadcast_in_dim3A_35 = arith.constant 1.000000e+00 : f32
    %broadcast_in_dim3A_36 = vector.broadcast %broadcast_in_dim3A_35 : f32 to vector<16xf32>
    %swap3A_37 = arith.constant 96 : index
    %swap3A_38 = tpu.vector_load %arg6[%swap3A_37] {strides = array<i32>} : memref<128xf32, #tpu.memory_space<vmem>>, vector<16xf32>,
    %swap3A_39 = vector.shape_cast %swap3A_38 : vector<16xf32> to vector<16xf32>
    %swap3A_40 = vector.shape_cast %broadcast_in_dim3A_36 : vector<16xf32> to vector<16xf32>
    tpu.vector_store %arg6[%swap3A_37], %swap3A_40 {strides = array<i32>} : memref<128xf32, #tpu.memory_space<vmem>>, vector<16xf32>,
    %broadcast_in_dim3A_41 = arith.constant 1.000000e+00 : f32
    %broadcast_in_dim3A_42 = vector.broadcast %broadcast_in_dim3A_41 : f32 to vector<16xf32>
    %swap3A_43 = arith.constant 112 : index
    %swap3A_44 = tpu.vector_load %arg6[%swap3A_43] {strides = array<i32>} : memref<128xf32, #tpu.memory_space<vmem>>, vector<16xf32>,
    %swap3A_45 = vector.shape_cast %swap3A_44 : vector<16xf32> to vector<16xf32>
    %swap3A_46 = vector.shape_cast %broadcast_in_dim3A_42 : vector<16xf32> to vector<16xf32>
    tpu.vector_store %arg6[%swap3A_43], %swap3A_46 {strides = array<i32>} : memref<128xf32, #tpu.memory_space<vmem>>, vector<16xf32>,
    %mul3A_47 = arith.constant 640 : i32
    %mul3A_48 = arith.muli %arg1, %mul3A_47 : i32
    "tpu.region"() ({
      %run_scoped3A = tpu.sem_alloc : memref<!tpu.dma_semaphore, #tpu.memory_space<semaphore_mem>>
      %dma_start3A = tpu.memref_slice %arg7[%mul3A_48] : memref<10240xf32, #tpu.memory_space<vmem_shared>> -> memref<640xf32, #tpu.memory_space<vmem_shared>>
      %dma_start3A_55 = tpu.memref_slice %arg3[%mul3A_48] : memref<10240xf32, #tpu.memory_space<hbm>> -> memref<640xf32, #tpu.memory_space<hbm>>
      tpu.enqueue_dma source(%dma_start3A_55 : memref<640xf32, #tpu.memory_space<hbm>>) target(%dma_start3A : memref<640xf32, #tpu.memory_space<vmem_shared>>) target_semaphore(%run_scoped3A : memref<!tpu.dma_semaphore, #tpu.memory_space<semaphore_mem>>)
      %dma_wait3A = tpu.memref_slice %arg7[%mul3A_48] : memref<10240xf32, #tpu.memory_space<vmem_shared>> -> memref<640xf32, #tpu.memory_space<vmem_shared>>
      %dma_wait3A_56 = tpu.memref_slice %arg3[%mul3A_48] : memref<10240xf32, #tpu.memory_space<hbm>> -> memref<640xf32, #tpu.memory_space<hbm>>
      tpu.wait_dma2 semaphore(%run_scoped3A : memref<!tpu.dma_semaphore, #tpu.memory_space<semaphore_mem>>) src(%dma_wait3A_56 : memref<640xf32, #tpu.memory_space<hbm>>) dst(%dma_wait3A : memref<640xf32, #tpu.memory_space<vmem_shared>>)
      tpu.yield
    }) : () -> ()
    %barrier3A = arith.constant 0 : index
    tpu.barrier barrier_id(%barrier3A)
    %scan3A = arith.constant 0 : i32
    %scan3A_49 = arith.constant 0 : i32
    %scan3A_50 = arith.constant 81 : i32
    %scan3A_51 = arith.addi %scan3A_49, %scan3A_50 : i32
    %scan3A_52 = arith.constant 1 : i32
    scf.for %scan3A_55 = %scan3A_49 to %scan3A_51 step %scan3A_52  : i32 {
      "tpu.region"() ({
        %run_scoped3A = tpu.sem_alloc : memref<!tpu.dma_semaphore, #tpu.memory_space<semaphore_mem>>
        %dma_start3A = arith.constant 0 : i32
        %dma_start3A_56 = tpu.memref_slice %arg5[%scan3A_55, %dma_start3A] : memref<81x128xi32, #tpu.memory_space<vmem>> -> memref<1x128xi32, #tpu.memory_space<vmem>>
        %dma_start3A_57 = tpu.memref_squeeze %dma_start3A_56 : memref<1x128xi32, #tpu.memory_space<vmem>> -> memref<128xi32, #tpu.memory_space<vmem>>
        %dma_start3A_58 = arith.constant 0 : i32
        %dma_start3A_59 = tpu.memref_slice %arg7[%dma_start3A_58] : memref<10240xf32, #tpu.memory_space<vmem_shared>> -> memref<10240xf32, #tpu.memory_space<vmem_shared>>
        tpu.enqueue_indirect_dma source(%arg6 : memref<128xf32, #tpu.memory_space<vmem>>) target(%dma_start3A_59 : memref<10240xf32, #tpu.memory_space<vmem_shared>>) offsets(%dma_start3A_57 : memref<128xi32, #tpu.memory_space<vmem>>) semaphore(%run_scoped3A : memref<!tpu.dma_semaphore, #tpu.memory_space<semaphore_mem>>) {add = true}
        %dma_wait3A = arith.constant 0 : i32
        %dma_wait3A_60 = tpu.memref_slice %arg5[%scan3A_55, %dma_wait3A] : memref<81x128xi32, #tpu.memory_space<vmem>> -> memref<1x128xi32, #tpu.memory_space<vmem>>
        %dma_wait3A_61 = tpu.memref_squeeze %dma_wait3A_60 : memref<1x128xi32, #tpu.memory_space<vmem>> -> memref<128xi32, #tpu.memory_space<vmem>>
        %dma_wait3A_62 = arith.constant 0 : i32
        %dma_wait3A_63 = tpu.memref_slice %arg7[%dma_wait3A_62] : memref<10240xf32, #tpu.memory_space<vmem_shared>> -> memref<10240xf32, #tpu.memory_space<vmem_shared>>
        tpu.wait_indirect_dma semaphore(%run_scoped3A : memref<!tpu.dma_semaphore, #tpu.memory_space<semaphore_mem>>) src(%arg6 : memref<128xf32, #tpu.memory_space<vmem>>) dst(%dma_wait3A_63 : memref<10240xf32, #tpu.memory_space<vmem_shared>>)
        tpu.yield
      }) : () -> ()
    }
    %scan3A_53 = arith.constant 81 : i32
    %barrier3A_54 = arith.constant 0 : index
    tpu.barrier barrier_id(%barrier3A_54)
    "tpu.region"() ({
      %run_scoped3A = tpu.sem_alloc : memref<!tpu.dma_semaphore, #tpu.memory_space<semaphore_mem>>
      %dma_start3A = tpu.memref_slice %arg4[%arg0, %mul3A_48] : memref<2x10240xf32, #tpu.memory_space<hbm>> -> memref<1x640xf32, #tpu.memory_space<hbm>>
      %dma_start3A_55 = tpu.memref_squeeze %dma_start3A : memref<1x640xf32, #tpu.memory_space<hbm>> -> memref<640xf32, #tpu.memory_space<hbm>>
      %dma_start3A_56 = tpu.memref_slice %arg7[%mul3A_48] : memref<10240xf32, #tpu.memory_space<vmem_shared>> -> memref<640xf32, #tpu.memory_space<vmem_shared>>
      tpu.enqueue_dma source(%dma_start3A_56 : memref<640xf32, #tpu.memory_space<vmem_shared>>) target(%dma_start3A_55 : memref<640xf32, #tpu.memory_space<hbm>>) target_semaphore(%run_scoped3A : memref<!tpu.dma_semaphore, #tpu.memory_space<semaphore_mem>>)
      %dma_wait3A = tpu.memref_slice %arg4[%arg0, %mul3A_48] : memref<2x10240xf32, #tpu.memory_space<hbm>> -> memref<1x640xf32, #tpu.memory_space<hbm>>
      %dma_wait3A_57 = tpu.memref_squeeze %dma_wait3A : memref<1x640xf32, #tpu.memory_space<hbm>> -> memref<640xf32, #tpu.memory_space<hbm>>
      %dma_wait3A_58 = tpu.memref_slice %arg7[%mul3A_48] : memref<10240xf32, #tpu.memory_space<vmem_shared>> -> memref<640xf32, #tpu.memory_space<vmem_shared>>
      tpu.wait_dma2 semaphore(%run_scoped3A : memref<!tpu.dma_semaphore, #tpu.memory_space<semaphore_mem>>) src(%dma_wait3A_58 : memref<640xf32, #tpu.memory_space<vmem_shared>>) dst(%dma_wait3A_57 : memref<640xf32, #tpu.memory_space<hbm>>)
      tpu.yield
    }) : () -> ()
    return
  }
}

#map = affine_map<(d0, d1) -> (0, 0, 0)>
#map1 = affine_map<(d0, d1) -> (0, 0)>
#map2 = affine_map<(d0, d1) -> (0, 0, 0, 0)>
module attributes {stable_mosaic.version = 14 : i64} {
  func.func @_sc_agg(%arg0: i32, %arg1: i32, %arg2: memref<32x81x128xi32, #tpu.memory_space<hbm>>, %arg3: memref<32x81x128xi32, #tpu.memory_space<hbm>>, %arg4: memref<10000x64xf32, #tpu.memory_space<hbm>>, %arg5: memref<10240x64xf32, #tpu.memory_space<hbm>>, %arg6: memref<1x2x10240x64xf32, #tpu.memory_space<hbm>>, %arg7: memref<81x128xi32, #tpu.memory_space<vmem>>, %arg8: memref<81x128xi32, #tpu.memory_space<vmem>>, %arg9: memref<10000x64xf32, #tpu.memory_space<vmem_shared>>, %arg10: memref<10240x64xf32, #tpu.memory_space<vmem_shared>>, %arg11: memref<128x64xf32, #tpu.memory_space<vmem>>, %arg12: memref<128x64xf32, #tpu.memory_space<vmem>>, %arg13: memref<128x64xf32, #tpu.memory_space<vmem>>, %arg14: memref<!tpu.dma_semaphore, #tpu.memory_space<semaphore_mem>>, %arg15: memref<!tpu.dma_semaphore, #tpu.memory_space<semaphore_mem>>, %arg16: memref<!tpu.dma_semaphore, #tpu.memory_space<semaphore_mem>>, %arg17: memref<!tpu.dma_semaphore, #tpu.memory_space<semaphore_mem>>, %arg18: memref<!tpu.dma_semaphore, #tpu.memory_space<semaphore_mem>>, %arg19: memref<!tpu.dma_semaphore, #tpu.memory_space<semaphore_mem>>) attributes {dimension_semantics = [#tpu.dimension_semantics<core_parallel>, #tpu.dimension_semantics<subcore_parallel>], iteration_bounds = array<i64: 2, 16>, scalar_prefetch = 0 : i64, scratch_operands = 13 : i64, tpu.core_type = #tpu.core_type<sc_vector_subcore>, window_params = [{transform_indices = #map}, {transform_indices = #map}, {transform_indices = #map1}, {transform_indices = #map1}, {transform_indices = #map2}]} {
    %mul3A = arith.constant 2 : i32
    %mul3A_0 = arith.muli %arg1, %mul3A : i32
    %add3A = arith.addi %mul3A_0, %arg0 : i32
    %mul3A_1 = arith.constant 640 : i32
    %mul3A_2 = arith.muli %arg1, %mul3A_1 : i32
    %mul3A_3 = arith.constant 625 : i32
    %mul3A_4 = arith.muli %arg1, %mul3A_3 : i32
    "tpu.region"() ({
      %run_scoped3A_51 = tpu.sem_alloc : memref<!tpu.dma_semaphore, #tpu.memory_space<semaphore_mem>>
      %dma_start3A_52 = arith.constant 0 : i32
      %dma_start3A_53 = arith.constant 0 : i32
      %dma_start3A_54 = tpu.memref_slice %arg2[%add3A, %dma_start3A_52, %dma_start3A_53] : memref<32x81x128xi32, #tpu.memory_space<hbm>> -> memref<1x81x128xi32, #tpu.memory_space<hbm>>
      %dma_start3A_55 = tpu.memref_squeeze %dma_start3A_54 : memref<1x81x128xi32, #tpu.memory_space<hbm>> -> memref<81x128xi32, #tpu.memory_space<hbm>>
      %dma_start3A_56 = arith.constant 0 : i32
      %dma_start3A_57 = arith.constant 0 : i32
      %dma_start3A_58 = tpu.memref_slice %arg2[%add3A, %dma_start3A_56, %dma_start3A_57] : memref<32x81x128xi32, #tpu.memory_space<hbm>> -> memref<1x81x128xi32, #tpu.memory_space<hbm>>
      %dma_start3A_59 = tpu.memref_squeeze %dma_start3A_58 : memref<1x81x128xi32, #tpu.memory_space<hbm>> -> memref<81x128xi32, #tpu.memory_space<hbm>>
      tpu.enqueue_dma source(%dma_start3A_59 : memref<81x128xi32, #tpu.memory_space<hbm>>) target(%arg7 : memref<81x128xi32, #tpu.memory_space<vmem>>) target_semaphore(%run_scoped3A_51 : memref<!tpu.dma_semaphore, #tpu.memory_space<semaphore_mem>>)
      %dma_wait3A_60 = arith.constant 0 : i32
      %dma_wait3A_61 = arith.constant 0 : i32
      %dma_wait3A_62 = tpu.memref_slice %arg2[%add3A, %dma_wait3A_60, %dma_wait3A_61] : memref<32x81x128xi32, #tpu.memory_space<hbm>> -> memref<1x81x128xi32, #tpu.memory_space<hbm>>
      %dma_wait3A_63 = tpu.memref_squeeze %dma_wait3A_62 : memref<1x81x128xi32, #tpu.memory_space<hbm>> -> memref<81x128xi32, #tpu.memory_space<hbm>>
      %dma_wait3A_64 = arith.constant 0 : i32
      %dma_wait3A_65 = arith.constant 0 : i32
      %dma_wait3A_66 = tpu.memref_slice %arg2[%add3A, %dma_wait3A_64, %dma_wait3A_65] : memref<32x81x128xi32, #tpu.memory_space<hbm>> -> memref<1x81x128xi32, #tpu.memory_space<hbm>>
      %dma_wait3A_67 = tpu.memref_squeeze %dma_wait3A_66 : memref<1x81x128xi32, #tpu.memory_space<hbm>> -> memref<81x128xi32, #tpu.memory_space<hbm>>
      tpu.wait_dma2 semaphore(%run_scoped3A_51 : memref<!tpu.dma_semaphore, #tpu.memory_space<semaphore_mem>>) src(%dma_wait3A_67 : memref<81x128xi32, #tpu.memory_space<hbm>>) dst(%arg7 : memref<81x128xi32, #tpu.memory_space<vmem>>)
      tpu.yield
    }) : () -> ()
    "tpu.region"() ({
      %run_scoped3A_51 = tpu.sem_alloc : memref<!tpu.dma_semaphore, #tpu.memory_space<semaphore_mem>>
      %dma_start3A_52 = arith.constant 0 : i32
      %dma_start3A_53 = arith.constant 0 : i32
      %dma_start3A_54 = tpu.memref_slice %arg3[%add3A, %dma_start3A_52, %dma_start3A_53] : memref<32x81x128xi32, #tpu.memory_space<hbm>> -> memref<1x81x128xi32, #tpu.memory_space<hbm>>
      %dma_start3A_55 = tpu.memref_squeeze %dma_start3A_54 : memref<1x81x128xi32, #tpu.memory_space<hbm>> -> memref<81x128xi32, #tpu.memory_space<hbm>>
      %dma_start3A_56 = arith.constant 0 : i32
      %dma_start3A_57 = arith.constant 0 : i32
      %dma_start3A_58 = tpu.memref_slice %arg3[%add3A, %dma_start3A_56, %dma_start3A_57] : memref<32x81x128xi32, #tpu.memory_space<hbm>> -> memref<1x81x128xi32, #tpu.memory_space<hbm>>
      %dma_start3A_59 = tpu.memref_squeeze %dma_start3A_58 : memref<1x81x128xi32, #tpu.memory_space<hbm>> -> memref<81x128xi32, #tpu.memory_space<hbm>>
      tpu.enqueue_dma source(%dma_start3A_59 : memref<81x128xi32, #tpu.memory_space<hbm>>) target(%arg8 : memref<81x128xi32, #tpu.memory_space<vmem>>) target_semaphore(%run_scoped3A_51 : memref<!tpu.dma_semaphore, #tpu.memory_space<semaphore_mem>>)
      %dma_wait3A_60 = arith.constant 0 : i32
      %dma_wait3A_61 = arith.constant 0 : i32
      %dma_wait3A_62 = tpu.memref_slice %arg3[%add3A, %dma_wait3A_60, %dma_wait3A_61] : memref<32x81x128xi32, #tpu.memory_space<hbm>> -> memref<1x81x128xi32, #tpu.memory_space<hbm>>
      %dma_wait3A_63 = tpu.memref_squeeze %dma_wait3A_62 : memref<1x81x128xi32, #tpu.memory_space<hbm>> -> memref<81x128xi32, #tpu.memory_space<hbm>>
      %dma_wait3A_64 = arith.constant 0 : i32
      %dma_wait3A_65 = arith.constant 0 : i32
      %dma_wait3A_66 = tpu.memref_slice %arg3[%add3A, %dma_wait3A_64, %dma_wait3A_65] : memref<32x81x128xi32, #tpu.memory_space<hbm>> -> memref<1x81x128xi32, #tpu.memory_space<hbm>>
      %dma_wait3A_67 = tpu.memref_squeeze %dma_wait3A_66 : memref<1x81x128xi32, #tpu.memory_space<hbm>> -> memref<81x128xi32, #tpu.memory_space<hbm>>
      tpu.wait_dma2 semaphore(%run_scoped3A_51 : memref<!tpu.dma_semaphore, #tpu.memory_space<semaphore_mem>>) src(%dma_wait3A_67 : memref<81x128xi32, #tpu.memory_space<hbm>>) dst(%arg8 : memref<81x128xi32, #tpu.memory_space<vmem>>)
      tpu.yield
    }) : () -> ()
    "tpu.region"() ({
      %run_scoped3A_51 = tpu.sem_alloc : memref<!tpu.dma_semaphore, #tpu.memory_space<semaphore_mem>>
      %dma_start3A_52 = arith.constant 0 : i32
      %dma_start3A_53 = tpu.memref_slice %arg9[%mul3A_4, %dma_start3A_52] : memref<10000x64xf32, #tpu.memory_space<vmem_shared>> -> memref<625x64xf32, #tpu.memory_space<vmem_shared>>
      %dma_start3A_54 = arith.constant 0 : i32
      %dma_start3A_55 = tpu.memref_slice %arg4[%mul3A_4, %dma_start3A_54] : memref<10000x64xf32, #tpu.memory_space<hbm>> -> memref<625x64xf32, #tpu.memory_space<hbm>>
      tpu.enqueue_dma source(%dma_start3A_55 : memref<625x64xf32, #tpu.memory_space<hbm>>) target(%dma_start3A_53 : memref<625x64xf32, #tpu.memory_space<vmem_shared>>) target_semaphore(%run_scoped3A_51 : memref<!tpu.dma_semaphore, #tpu.memory_space<semaphore_mem>>)
      %dma_wait3A_56 = arith.constant 0 : i32
      %dma_wait3A_57 = tpu.memref_slice %arg9[%mul3A_4, %dma_wait3A_56] : memref<10000x64xf32, #tpu.memory_space<vmem_shared>> -> memref<625x64xf32, #tpu.memory_space<vmem_shared>>
      %dma_wait3A_58 = arith.constant 0 : i32
      %dma_wait3A_59 = tpu.memref_slice %arg4[%mul3A_4, %dma_wait3A_58] : memref<10000x64xf32, #tpu.memory_space<hbm>> -> memref<625x64xf32, #tpu.memory_space<hbm>>
      tpu.wait_dma2 semaphore(%run_scoped3A_51 : memref<!tpu.dma_semaphore, #tpu.memory_space<semaphore_mem>>) src(%dma_wait3A_59 : memref<625x64xf32, #tpu.memory_space<hbm>>) dst(%dma_wait3A_57 : memref<625x64xf32, #tpu.memory_space<vmem_shared>>)
      tpu.yield
    }) : () -> ()
    "tpu.region"() ({
      %run_scoped3A_51 = tpu.sem_alloc : memref<!tpu.dma_semaphore, #tpu.memory_space<semaphore_mem>>
      %dma_start3A_52 = arith.constant 0 : i32
      %dma_start3A_53 = tpu.memref_slice %arg10[%mul3A_2, %dma_start3A_52] : memref<10240x64xf32, #tpu.memory_space<vmem_shared>> -> memref<640x64xf32, #tpu.memory_space<vmem_shared>>
      %dma_start3A_54 = arith.constant 0 : i32
      %dma_start3A_55 = tpu.memref_slice %arg5[%mul3A_2, %dma_start3A_54] : memref<10240x64xf32, #tpu.memory_space<hbm>> -> memref<640x64xf32, #tpu.memory_space<hbm>>
      tpu.enqueue_dma source(%dma_start3A_55 : memref<640x64xf32, #tpu.memory_space<hbm>>) target(%dma_start3A_53 : memref<640x64xf32, #tpu.memory_space<vmem_shared>>) target_semaphore(%run_scoped3A_51 : memref<!tpu.dma_semaphore, #tpu.memory_space<semaphore_mem>>)
      %dma_wait3A_56 = arith.constant 0 : i32
      %dma_wait3A_57 = tpu.memref_slice %arg10[%mul3A_2, %dma_wait3A_56] : memref<10240x64xf32, #tpu.memory_space<vmem_shared>> -> memref<640x64xf32, #tpu.memory_space<vmem_shared>>
      %dma_wait3A_58 = arith.constant 0 : i32
      %dma_wait3A_59 = tpu.memref_slice %arg5[%mul3A_2, %dma_wait3A_58] : memref<10240x64xf32, #tpu.memory_space<hbm>> -> memref<640x64xf32, #tpu.memory_space<hbm>>
      tpu.wait_dma2 semaphore(%run_scoped3A_51 : memref<!tpu.dma_semaphore, #tpu.memory_space<semaphore_mem>>) src(%dma_wait3A_59 : memref<640x64xf32, #tpu.memory_space<hbm>>) dst(%dma_wait3A_57 : memref<640x64xf32, #tpu.memory_space<vmem_shared>>)
      tpu.yield
    }) : () -> ()
    %barrier3A = arith.constant 0 : index
    tpu.barrier barrier_id(%barrier3A)
    %dma_start3A = arith.constant 0 : i32
    %dma_start3A_5 = arith.constant 0 : i32
    %dma_start3A_6 = tpu.memref_slice %arg7[%dma_start3A, %dma_start3A_5] : memref<81x128xi32, #tpu.memory_space<vmem>> -> memref<1x128xi32, #tpu.memory_space<vmem>>
    %dma_start3A_7 = tpu.memref_squeeze %dma_start3A_6 : memref<1x128xi32, #tpu.memory_space<vmem>> -> memref<128xi32, #tpu.memory_space<vmem>>
    %dma_start3A_8 = arith.constant 0 : i32
    %dma_start3A_9 = arith.constant 0 : i32
    %dma_start3A_10 = tpu.memref_slice %arg9[%dma_start3A_8, %dma_start3A_9] : memref<10000x64xf32, #tpu.memory_space<vmem_shared>> -> memref<10000x64xf32, #tpu.memory_space<vmem_shared>>
    tpu.enqueue_indirect_dma source(%dma_start3A_10 : memref<10000x64xf32, #tpu.memory_space<vmem_shared>>) target(%arg11 : memref<128x64xf32, #tpu.memory_space<vmem>>) offsets(%dma_start3A_7 : memref<128xi32, #tpu.memory_space<vmem>>) semaphore(%arg14 : memref<!tpu.dma_semaphore, #tpu.memory_space<semaphore_mem>>)
    %dma_start3A_11 = arith.constant 1 : i32
    %dma_start3A_12 = arith.constant 0 : i32
    %dma_start3A_13 = tpu.memref_slice %arg7[%dma_start3A_11, %dma_start3A_12] : memref<81x128xi32, #tpu.memory_space<vmem>> -> memref<1x128xi32, #tpu.memory_space<vmem>>
    %dma_start3A_14 = tpu.memref_squeeze %dma_start3A_13 : memref<1x128xi32, #tpu.memory_space<vmem>> -> memref<128xi32, #tpu.memory_space<vmem>>
    %dma_start3A_15 = arith.constant 0 : i32
    %dma_start3A_16 = arith.constant 0 : i32
    %dma_start3A_17 = tpu.memref_slice %arg9[%dma_start3A_15, %dma_start3A_16] : memref<10000x64xf32, #tpu.memory_space<vmem_shared>> -> memref<10000x64xf32, #tpu.memory_space<vmem_shared>>
    tpu.enqueue_indirect_dma source(%dma_start3A_17 : memref<10000x64xf32, #tpu.memory_space<vmem_shared>>) target(%arg12 : memref<128x64xf32, #tpu.memory_space<vmem>>) offsets(%dma_start3A_14 : memref<128xi32, #tpu.memory_space<vmem>>) semaphore(%arg15 : memref<!tpu.dma_semaphore, #tpu.memory_space<semaphore_mem>>)
    %dma_start3A_18 = arith.constant 2 : i32
    %dma_start3A_19 = arith.constant 0 : i32
    %dma_start3A_20 = tpu.memref_slice %arg7[%dma_start3A_18, %dma_start3A_19] : memref<81x128xi32, #tpu.memory_space<vmem>> -> memref<1x128xi32, #tpu.memory_space<vmem>>
    %dma_start3A_21 = tpu.memref_squeeze %dma_start3A_20 : memref<1x128xi32, #tpu.memory_space<vmem>> -> memref<128xi32, #tpu.memory_space<vmem>>
    %dma_start3A_22 = arith.constant 0 : i32
    %dma_start3A_23 = arith.constant 0 : i32
    %dma_start3A_24 = tpu.memref_slice %arg9[%dma_start3A_22, %dma_start3A_23] : memref<10000x64xf32, #tpu.memory_space<vmem_shared>> -> memref<10000x64xf32, #tpu.memory_space<vmem_shared>>
    tpu.enqueue_indirect_dma source(%dma_start3A_24 : memref<10000x64xf32, #tpu.memory_space<vmem_shared>>) target(%arg13 : memref<128x64xf32, #tpu.memory_space<vmem>>) offsets(%dma_start3A_21 : memref<128xi32, #tpu.memory_space<vmem>>) semaphore(%arg16 : memref<!tpu.dma_semaphore, #tpu.memory_space<semaphore_mem>>)
    %scan3A = arith.constant 0 : i32
    %scan3A_25 = arith.constant 0 : i32
    %scan3A_26 = arith.constant 27 : i32
    %scan3A_27 = arith.addi %scan3A_25, %scan3A_26 : i32
    %scan3A_28 = arith.constant 1 : i32
    scf.for %scan3A_51 = %scan3A_25 to %scan3A_27 step %scan3A_28  : i32 {
      %mul3A_52 = arith.constant 3 : i32
      %mul3A_53 = arith.muli %mul3A_52, %scan3A_51 : i32
      %add3A_54 = arith.constant 0 : i32
      %add3A_55 = arith.addi %mul3A_53, %add3A_54 : i32
      %dma_wait3A_56 = arith.constant 0 : i32
      %dma_wait3A_57 = tpu.memref_slice %arg7[%add3A_55, %dma_wait3A_56] : memref<81x128xi32, #tpu.memory_space<vmem>> -> memref<1x128xi32, #tpu.memory_space<vmem>>
      %dma_wait3A_58 = tpu.memref_squeeze %dma_wait3A_57 : memref<1x128xi32, #tpu.memory_space<vmem>> -> memref<128xi32, #tpu.memory_space<vmem>>
      %dma_wait3A_59 = arith.constant 0 : i32
      %dma_wait3A_60 = arith.constant 0 : i32
      %dma_wait3A_61 = tpu.memref_slice %arg9[%dma_wait3A_59, %dma_wait3A_60] : memref<10000x64xf32, #tpu.memory_space<vmem_shared>> -> memref<10000x64xf32, #tpu.memory_space<vmem_shared>>
      tpu.wait_indirect_dma semaphore(%arg14 : memref<!tpu.dma_semaphore, #tpu.memory_space<semaphore_mem>>) src(%dma_wait3A_61 : memref<10000x64xf32, #tpu.memory_space<vmem_shared>>) dst(%arg11 : memref<128x64xf32, #tpu.memory_space<vmem>>)
      %dma_start3A_62 = arith.constant 0 : i32
      %dma_start3A_63 = tpu.memref_slice %arg8[%add3A_55, %dma_start3A_62] : memref<81x128xi32, #tpu.memory_space<vmem>> -> memref<1x128xi32, #tpu.memory_space<vmem>>
      %dma_start3A_64 = tpu.memref_squeeze %dma_start3A_63 : memref<1x128xi32, #tpu.memory_space<vmem>> -> memref<128xi32, #tpu.memory_space<vmem>>
      %dma_start3A_65 = arith.constant 0 : i32
      %dma_start3A_66 = arith.constant 0 : i32
      %dma_start3A_67 = tpu.memref_slice %arg10[%dma_start3A_65, %dma_start3A_66] : memref<10240x64xf32, #tpu.memory_space<vmem_shared>> -> memref<10240x64xf32, #tpu.memory_space<vmem_shared>>
      tpu.enqueue_indirect_dma source(%arg11 : memref<128x64xf32, #tpu.memory_space<vmem>>) target(%dma_start3A_67 : memref<10240x64xf32, #tpu.memory_space<vmem_shared>>) offsets(%dma_start3A_64 : memref<128xi32, #tpu.memory_space<vmem>>) semaphore(%arg17 : memref<!tpu.dma_semaphore, #tpu.memory_space<semaphore_mem>>) {add = true}
      %mul3A_68 = arith.constant 3 : i32
      %mul3A_69 = arith.muli %mul3A_68, %scan3A_51 : i32
      %add3A_70 = arith.constant 1 : i32
      %add3A_71 = arith.addi %mul3A_69, %add3A_70 : i32
      %dma_wait3A_72 = arith.constant 0 : i32
      %dma_wait3A_73 = tpu.memref_slice %arg7[%add3A_71, %dma_wait3A_72] : memref<81x128xi32, #tpu.memory_space<vmem>> -> memref<1x128xi32, #tpu.memory_space<vmem>>
      %dma_wait3A_74 = tpu.memref_squeeze %dma_wait3A_73 : memref<1x128xi32, #tpu.memory_space<vmem>> -> memref<128xi32, #tpu.memory_space<vmem>>
      %dma_wait3A_75 = arith.constant 0 : i32
      %dma_wait3A_76 = arith.constant 0 : i32
      %dma_wait3A_77 = tpu.memref_slice %arg9[%dma_wait3A_75, %dma_wait3A_76] : memref<10000x64xf32, #tpu.memory_space<vmem_shared>> -> memref<10000x64xf32, #tpu.memory_space<vmem_shared>>
      tpu.wait_indirect_dma semaphore(%arg15 : memref<!tpu.dma_semaphore, #tpu.memory_space<semaphore_mem>>) src(%dma_wait3A_77 : memref<10000x64xf32, #tpu.memory_space<vmem_shared>>) dst(%arg12 : memref<128x64xf32, #tpu.memory_space<vmem>>)
      %dma_start3A_78 = arith.constant 0 : i32
      %dma_start3A_79 = tpu.memref_slice %arg8[%add3A_71, %dma_start3A_78] : memref<81x128xi32, #tpu.memory_space<vmem>> -> memref<1x128xi32, #tpu.memory_space<vmem>>
      %dma_start3A_80 = tpu.memref_squeeze %dma_start3A_79 : memref<1x128xi32, #tpu.memory_space<vmem>> -> memref<128xi32, #tpu.memory_space<vmem>>
      %dma_start3A_81 = arith.constant 0 : i32
      %dma_start3A_82 = arith.constant 0 : i32
      %dma_start3A_83 = tpu.memref_slice %arg10[%dma_start3A_81, %dma_start3A_82] : memref<10240x64xf32, #tpu.memory_space<vmem_shared>> -> memref<10240x64xf32, #tpu.memory_space<vmem_shared>>
      tpu.enqueue_indirect_dma source(%arg12 : memref<128x64xf32, #tpu.memory_space<vmem>>) target(%dma_start3A_83 : memref<10240x64xf32, #tpu.memory_space<vmem_shared>>) offsets(%dma_start3A_80 : memref<128xi32, #tpu.memory_space<vmem>>) semaphore(%arg18 : memref<!tpu.dma_semaphore, #tpu.memory_space<semaphore_mem>>) {add = true}
      %mul3A_84 = arith.constant 3 : i32
      %mul3A_85 = arith.muli %mul3A_84, %scan3A_51 : i32
      %add3A_86 = arith.constant 2 : i32
      %add3A_87 = arith.addi %mul3A_85, %add3A_86 : i32
      %dma_wait3A_88 = arith.constant 0 : i32
      %dma_wait3A_89 = tpu.memref_slice %arg7[%add3A_87, %dma_wait3A_88] : memref<81x128xi32, #tpu.memory_space<vmem>> -> memref<1x128xi32, #tpu.memory_space<vmem>>
      %dma_wait3A_90 = tpu.memref_squeeze %dma_wait3A_89 : memref<1x128xi32, #tpu.memory_space<vmem>> -> memref<128xi32, #tpu.memory_space<vmem>>
      %dma_wait3A_91 = arith.constant 0 : i32
      %dma_wait3A_92 = arith.constant 0 : i32
      %dma_wait3A_93 = tpu.memref_slice %arg9[%dma_wait3A_91, %dma_wait3A_92] : memref<10000x64xf32, #tpu.memory_space<vmem_shared>> -> memref<10000x64xf32, #tpu.memory_space<vmem_shared>>
      tpu.wait_indirect_dma semaphore(%arg16 : memref<!tpu.dma_semaphore, #tpu.memory_space<semaphore_mem>>) src(%dma_wait3A_93 : memref<10000x64xf32, #tpu.memory_space<vmem_shared>>) dst(%arg13 : memref<128x64xf32, #tpu.memory_space<vmem>>)
      %dma_start3A_94 = arith.constant 0 : i32
      %dma_start3A_95 = tpu.memref_slice %arg8[%add3A_87, %dma_start3A_94] : memref<81x128xi32, #tpu.memory_space<vmem>> -> memref<1x128xi32, #tpu.memory_space<vmem>>
      %dma_start3A_96 = tpu.memref_squeeze %dma_start3A_95 : memref<1x128xi32, #tpu.memory_space<vmem>> -> memref<128xi32, #tpu.memory_space<vmem>>
      %dma_start3A_97 = arith.constant 0 : i32
      %dma_start3A_98 = arith.constant 0 : i32
      %dma_start3A_99 = tpu.memref_slice %arg10[%dma_start3A_97, %dma_start3A_98] : memref<10240x64xf32, #tpu.memory_space<vmem_shared>> -> memref<10240x64xf32, #tpu.memory_space<vmem_shared>>
      tpu.enqueue_indirect_dma source(%arg13 : memref<128x64xf32, #tpu.memory_space<vmem>>) target(%dma_start3A_99 : memref<10240x64xf32, #tpu.memory_space<vmem_shared>>) offsets(%dma_start3A_96 : memref<128xi32, #tpu.memory_space<vmem>>) semaphore(%arg19 : memref<!tpu.dma_semaphore, #tpu.memory_space<semaphore_mem>>) {add = true}
      %lt3A = arith.constant 26 : i32
      %lt3A_100 = arith.cmpi slt, %scan3A_51, %lt3A : i32
      %convert_element_type3A = arith.extui %lt3A_100 : i1 to i32
      %cond3A = arith.constant 0 : i32
      %cond3A_101 = arith.cmpi ne, %convert_element_type3A, %cond3A : i32
      scf.if %cond3A_101 {
        %mul3A_102 = arith.constant 3 : i32
        %mul3A_103 = arith.muli %mul3A_102, %scan3A_51 : i32
        %add3A_104 = arith.constant 0 : i32
        %add3A_105 = arith.addi %mul3A_103, %add3A_104 : i32
        %dma_wait3A_106 = arith.constant 0 : i32
        %dma_wait3A_107 = tpu.memref_slice %arg8[%add3A_105, %dma_wait3A_106] : memref<81x128xi32, #tpu.memory_space<vmem>> -> memref<1x128xi32, #tpu.memory_space<vmem>>
        %dma_wait3A_108 = tpu.memref_squeeze %dma_wait3A_107 : memref<1x128xi32, #tpu.memory_space<vmem>> -> memref<128xi32, #tpu.memory_space<vmem>>
        %dma_wait3A_109 = arith.constant 0 : i32
        %dma_wait3A_110 = arith.constant 0 : i32
        %dma_wait3A_111 = tpu.memref_slice %arg10[%dma_wait3A_109, %dma_wait3A_110] : memref<10240x64xf32, #tpu.memory_space<vmem_shared>> -> memref<10240x64xf32, #tpu.memory_space<vmem_shared>>
        tpu.wait_indirect_dma semaphore(%arg17 : memref<!tpu.dma_semaphore, #tpu.memory_space<semaphore_mem>>) src(%arg11 : memref<128x64xf32, #tpu.memory_space<vmem>>) dst(%dma_wait3A_111 : memref<10240x64xf32, #tpu.memory_space<vmem_shared>>)
        %add3A_112 = arith.constant 3 : i32
        %add3A_113 = arith.addi %add3A_105, %add3A_112 : i32
        %dma_start3A_114 = arith.constant 0 : i32
        %dma_start3A_115 = tpu.memref_slice %arg7[%add3A_113, %dma_start3A_114] : memref<81x128xi32, #tpu.memory_space<vmem>> -> memref<1x128xi32, #tpu.memory_space<vmem>>
        %dma_start3A_116 = tpu.memref_squeeze %dma_start3A_115 : memref<1x128xi32, #tpu.memory_space<vmem>> -> memref<128xi32, #tpu.memory_space<vmem>>
        %dma_start3A_117 = arith.constant 0 : i32
        %dma_start3A_118 = arith.constant 0 : i32
        %dma_start3A_119 = tpu.memref_slice %arg9[%dma_start3A_117, %dma_start3A_118] : memref<10000x64xf32, #tpu.memory_space<vmem_shared>> -> memref<10000x64xf32, #tpu.memory_space<vmem_shared>>
        tpu.enqueue_indirect_dma source(%dma_start3A_119 : memref<10000x64xf32, #tpu.memory_space<vmem_shared>>) target(%arg11 : memref<128x64xf32, #tpu.memory_space<vmem>>) offsets(%dma_start3A_116 : memref<128xi32, #tpu.memory_space<vmem>>) semaphore(%arg14 : memref<!tpu.dma_semaphore, #tpu.memory_space<semaphore_mem>>)
        %mul3A_120 = arith.constant 3 : i32
        %mul3A_121 = arith.muli %mul3A_120, %scan3A_51 : i32
        %add3A_122 = arith.constant 1 : i32
        %add3A_123 = arith.addi %mul3A_121, %add3A_122 : i32
        %dma_wait3A_124 = arith.constant 0 : i32
        %dma_wait3A_125 = tpu.memref_slice %arg8[%add3A_123, %dma_wait3A_124] : memref<81x128xi32, #tpu.memory_space<vmem>> -> memref<1x128xi32, #tpu.memory_space<vmem>>
        %dma_wait3A_126 = tpu.memref_squeeze %dma_wait3A_125 : memref<1x128xi32, #tpu.memory_space<vmem>> -> memref<128xi32, #tpu.memory_space<vmem>>
        %dma_wait3A_127 = arith.constant 0 : i32
        %dma_wait3A_128 = arith.constant 0 : i32
        %dma_wait3A_129 = tpu.memref_slice %arg10[%dma_wait3A_127, %dma_wait3A_128] : memref<10240x64xf32, #tpu.memory_space<vmem_shared>> -> memref<10240x64xf32, #tpu.memory_space<vmem_shared>>
        tpu.wait_indirect_dma semaphore(%arg18 : memref<!tpu.dma_semaphore, #tpu.memory_space<semaphore_mem>>) src(%arg12 : memref<128x64xf32, #tpu.memory_space<vmem>>) dst(%dma_wait3A_129 : memref<10240x64xf32, #tpu.memory_space<vmem_shared>>)
        %add3A_130 = arith.constant 3 : i32
        %add3A_131 = arith.addi %add3A_123, %add3A_130 : i32
        %dma_start3A_132 = arith.constant 0 : i32
        %dma_start3A_133 = tpu.memref_slice %arg7[%add3A_131, %dma_start3A_132] : memref<81x128xi32, #tpu.memory_space<vmem>> -> memref<1x128xi32, #tpu.memory_space<vmem>>
        %dma_start3A_134 = tpu.memref_squeeze %dma_start3A_133 : memref<1x128xi32, #tpu.memory_space<vmem>> -> memref<128xi32, #tpu.memory_space<vmem>>
        %dma_start3A_135 = arith.constant 0 : i32
        %dma_start3A_136 = arith.constant 0 : i32
        %dma_start3A_137 = tpu.memref_slice %arg9[%dma_start3A_135, %dma_start3A_136] : memref<10000x64xf32, #tpu.memory_space<vmem_shared>> -> memref<10000x64xf32, #tpu.memory_space<vmem_shared>>
        tpu.enqueue_indirect_dma source(%dma_start3A_137 : memref<10000x64xf32, #tpu.memory_space<vmem_shared>>) target(%arg12 : memref<128x64xf32, #tpu.memory_space<vmem>>) offsets(%dma_start3A_134 : memref<128xi32, #tpu.memory_space<vmem>>) semaphore(%arg15 : memref<!tpu.dma_semaphore, #tpu.memory_space<semaphore_mem>>)
        %mul3A_138 = arith.constant 3 : i32
        %mul3A_139 = arith.muli %mul3A_138, %scan3A_51 : i32
        %add3A_140 = arith.constant 2 : i32
        %add3A_141 = arith.addi %mul3A_139, %add3A_140 : i32
        %dma_wait3A_142 = arith.constant 0 : i32
        %dma_wait3A_143 = tpu.memref_slice %arg8[%add3A_141, %dma_wait3A_142] : memref<81x128xi32, #tpu.memory_space<vmem>> -> memref<1x128xi32, #tpu.memory_space<vmem>>
        %dma_wait3A_144 = tpu.memref_squeeze %dma_wait3A_143 : memref<1x128xi32, #tpu.memory_space<vmem>> -> memref<128xi32, #tpu.memory_space<vmem>>
        %dma_wait3A_145 = arith.constant 0 : i32
        %dma_wait3A_146 = arith.constant 0 : i32
        %dma_wait3A_147 = tpu.memref_slice %arg10[%dma_wait3A_145, %dma_wait3A_146] : memref<10240x64xf32, #tpu.memory_space<vmem_shared>> -> memref<10240x64xf32, #tpu.memory_space<vmem_shared>>
        tpu.wait_indirect_dma semaphore(%arg19 : memref<!tpu.dma_semaphore, #tpu.memory_space<semaphore_mem>>) src(%arg13 : memref<128x64xf32, #tpu.memory_space<vmem>>) dst(%dma_wait3A_147 : memref<10240x64xf32, #tpu.memory_space<vmem_shared>>)
        %add3A_148 = arith.constant 3 : i32
        %add3A_149 = arith.addi %add3A_141, %add3A_148 : i32
        %dma_start3A_150 = arith.constant 0 : i32
        %dma_start3A_151 = tpu.memref_slice %arg7[%add3A_149, %dma_start3A_150] : memref<81x128xi32, #tpu.memory_space<vmem>> -> memref<1x128xi32, #tpu.memory_space<vmem>>
        %dma_start3A_152 = tpu.memref_squeeze %dma_start3A_151 : memref<1x128xi32, #tpu.memory_space<vmem>> -> memref<128xi32, #tpu.memory_space<vmem>>
        %dma_start3A_153 = arith.constant 0 : i32
        %dma_start3A_154 = arith.constant 0 : i32
        %dma_start3A_155 = tpu.memref_slice %arg9[%dma_start3A_153, %dma_start3A_154] : memref<10000x64xf32, #tpu.memory_space<vmem_shared>> -> memref<10000x64xf32, #tpu.memory_space<vmem_shared>>
        tpu.enqueue_indirect_dma source(%dma_start3A_155 : memref<10000x64xf32, #tpu.memory_space<vmem_shared>>) target(%arg13 : memref<128x64xf32, #tpu.memory_space<vmem>>) offsets(%dma_start3A_152 : memref<128xi32, #tpu.memory_space<vmem>>) semaphore(%arg16 : memref<!tpu.dma_semaphore, #tpu.memory_space<semaphore_mem>>)
      } else {
      }
    }
    %scan3A_29 = arith.constant 27 : i32
    %dma_wait3A = arith.constant 78 : i32
    %dma_wait3A_30 = arith.constant 0 : i32
    %dma_wait3A_31 = tpu.memref_slice %arg8[%dma_wait3A, %dma_wait3A_30] : memref<81x128xi32, #tpu.memory_space<vmem>> -> memref<1x128xi32, #tpu.memory_space<vmem>>
    %dma_wait3A_32 = tpu.memref_squeeze %dma_wait3A_31 : memref<1x128xi32, #tpu.memory_space<vmem>> -> memref<128xi32, #tpu.memory_space<vmem>>
    %dma_wait3A_33 = arith.constant 0 : i32
    %dma_wait3A_34 = arith.constant 0 : i32
    %dma_wait3A_35 = tpu.memref_slice %arg10[%dma_wait3A_33, %dma_wait3A_34] : memref<10240x64xf32, #tpu.memory_space<vmem_shared>> -> memref<10240x64xf32, #tpu.memory_space<vmem_shared>>
    tpu.wait_indirect_dma semaphore(%arg17 : memref<!tpu.dma_semaphore, #tpu.memory_space<semaphore_mem>>) src(%arg11 : memref<128x64xf32, #tpu.memory_space<vmem>>) dst(%dma_wait3A_35 : memref<10240x64xf32, #tpu.memory_space<vmem_shared>>)
    %dma_wait3A_36 = arith.constant 79 : i32
    %dma_wait3A_37 = arith.constant 0 : i32
    %dma_wait3A_38 = tpu.memref_slice %arg8[%dma_wait3A_36, %dma_wait3A_37] : memref<81x128xi32, #tpu.memory_space<vmem>> -> memref<1x128xi32, #tpu.memory_space<vmem>>
    %dma_wait3A_39 = tpu.memref_squeeze %dma_wait3A_38 : memref<1x128xi32, #tpu.memory_space<vmem>> -> memref<128xi32, #tpu.memory_space<vmem>>
    %dma_wait3A_40 = arith.constant 0 : i32
    %dma_wait3A_41 = arith.constant 0 : i32
    %dma_wait3A_42 = tpu.memref_slice %arg10[%dma_wait3A_40, %dma_wait3A_41] : memref<10240x64xf32, #tpu.memory_space<vmem_shared>> -> memref<10240x64xf32, #tpu.memory_space<vmem_shared>>
    tpu.wait_indirect_dma semaphore(%arg18 : memref<!tpu.dma_semaphore, #tpu.memory_space<semaphore_mem>>) src(%arg12 : memref<128x64xf32, #tpu.memory_space<vmem>>) dst(%dma_wait3A_42 : memref<10240x64xf32, #tpu.memory_space<vmem_shared>>)
    %dma_wait3A_43 = arith.constant 80 : i32
    %dma_wait3A_44 = arith.constant 0 : i32
    %dma_wait3A_45 = tpu.memref_slice %arg8[%dma_wait3A_43, %dma_wait3A_44] : memref<81x128xi32, #tpu.memory_space<vmem>> -> memref<1x128xi32, #tpu.memory_space<vmem>>
    %dma_wait3A_46 = tpu.memref_squeeze %dma_wait3A_45 : memref<1x128xi32, #tpu.memory_space<vmem>> -> memref<128xi32, #tpu.memory_space<vmem>>
    %dma_wait3A_47 = arith.constant 0 : i32
    %dma_wait3A_48 = arith.constant 0 : i32
    %dma_wait3A_49 = tpu.memref_slice %arg10[%dma_wait3A_47, %dma_wait3A_48] : memref<10240x64xf32, #tpu.memory_space<vmem_shared>> -> memref<10240x64xf32, #tpu.memory_space<vmem_shared>>
    tpu.wait_indirect_dma semaphore(%arg19 : memref<!tpu.dma_semaphore, #tpu.memory_space<semaphore_mem>>) src(%arg13 : memref<128x64xf32, #tpu.memory_space<vmem>>) dst(%dma_wait3A_49 : memref<10240x64xf32, #tpu.memory_space<vmem_shared>>)
    %barrier3A_50 = arith.constant 0 : index
    tpu.barrier barrier_id(%barrier3A_50)
    %run_scoped3A = arith.constant 0 : i32
    "tpu.region"() ({
      %run_scoped3A_51 = tpu.sem_alloc : memref<!tpu.dma_semaphore, #tpu.memory_space<semaphore_mem>>
      %dma_start3A_52 = arith.constant 0 : i32
      %dma_start3A_53 = tpu.memref_slice %arg6[%run_scoped3A, %arg0, %mul3A_2, %dma_start3A_52] : memref<1x2x10240x64xf32, #tpu.memory_space<hbm>> -> memref<1x1x640x64xf32, #tpu.memory_space<hbm>>
      %dma_start3A_54 = tpu.memref_squeeze %dma_start3A_53 : memref<1x1x640x64xf32, #tpu.memory_space<hbm>> -> memref<640x64xf32, #tpu.memory_space<hbm>>
      %dma_start3A_55 = arith.constant 0 : i32
      %dma_start3A_56 = tpu.memref_slice %arg10[%mul3A_2, %dma_start3A_55] : memref<10240x64xf32, #tpu.memory_space<vmem_shared>> -> memref<640x64xf32, #tpu.memory_space<vmem_shared>>
      tpu.enqueue_dma source(%dma_start3A_56 : memref<640x64xf32, #tpu.memory_space<vmem_shared>>) target(%dma_start3A_54 : memref<640x64xf32, #tpu.memory_space<hbm>>) target_semaphore(%run_scoped3A_51 : memref<!tpu.dma_semaphore, #tpu.memory_space<semaphore_mem>>)
      %dma_wait3A_57 = arith.constant 0 : i32
      %dma_wait3A_58 = tpu.memref_slice %arg6[%run_scoped3A, %arg0, %mul3A_2, %dma_wait3A_57] : memref<1x2x10240x64xf32, #tpu.memory_space<hbm>> -> memref<1x1x640x64xf32, #tpu.memory_space<hbm>>
      %dma_wait3A_59 = tpu.memref_squeeze %dma_wait3A_58 : memref<1x1x640x64xf32, #tpu.memory_space<hbm>> -> memref<640x64xf32, #tpu.memory_space<hbm>>
      %dma_wait3A_60 = arith.constant 0 : i32
      %dma_wait3A_61 = tpu.memref_slice %arg10[%mul3A_2, %dma_wait3A_60] : memref<10240x64xf32, #tpu.memory_space<vmem_shared>> -> memref<640x64xf32, #tpu.memory_space<vmem_shared>>
      tpu.wait_dma2 semaphore(%run_scoped3A_51 : memref<!tpu.dma_semaphore, #tpu.memory_space<semaphore_mem>>) src(%dma_wait3A_61 : memref<640x64xf32, #tpu.memory_space<vmem_shared>>) dst(%dma_wait3A_59 : memref<640x64xf32, #tpu.memory_space<hbm>>)
      tpu.yield
    }) : () -> ()
    return
  }
}

module attributes {stable_mosaic.version = 14 : i64} {
  func.func @_tc_prescale_body(%arg0: i32, %arg1: memref<1000x1xf32, #tpu.memory_space<vmem>>, %arg2: memref<1000x1xf32, #tpu.memory_space<vmem>>, %arg3: memref<1000x128xf32, #tpu.memory_space<vmem>>, %arg4: memref<1000x128xf32, #tpu.memory_space<vmem>>, %arg5: memref<1000x64xf32, #tpu.memory_space<vmem>>, %arg6: memref<1000x64xf32, #tpu.memory_space<vmem>>, %arg7: memref<1000x1xf32, #tpu.memory_space<vmem>>) attributes {dimension_semantics = [#tpu.dimension_semantics<arbitrary>], iteration_bounds = array<i64: 10>, scalar_prefetch = 0 : i64, scratch_operands = 0 : i64, tpu.core_type = #tpu.core_type<tc>, window_params = [{transform_indices = @transform_0, window_bounds = array<i64: 1000, 1>}, {transform_indices = @transform_1, window_bounds = array<i64: 1000, 1>}, {transform_indices = @transform_2, window_bounds = array<i64: 1000, 128>}, {transform_indices = @transform_3, window_bounds = array<i64: 1000, 128>}, {transform_indices = @transform_4, window_bounds = array<i64: 1000, 64>}, {transform_indices = @transform_5, window_bounds = array<i64: 1000, 64>}, {transform_indices = @transform_6, window_bounds = array<i64: 1000, 1>}]} {
    %get3A = arith.constant 0 : index
    %get3A_0 = arith.constant 0 : index
    %get3A_1 = vector.load %arg1[%get3A, %get3A_0] : memref<1000x1xf32, #tpu.memory_space<vmem>>, vector<1000x1xf32>
    %get3A_2 = arith.constant 0 : index
    %get3A_3 = arith.constant 0 : index
    %get3A_4 = vector.load %arg2[%get3A_2, %get3A_3] : memref<1000x1xf32, #tpu.memory_space<vmem>>, vector<1000x1xf32>
    %add3A = arith.addf %get3A_1, %get3A_4 : vector<1000x1xf32>
    %add3A_5 = arith.constant 1.000000e+00 : f32
    %add3A_6 = vector.broadcast %add3A_5 : f32 to vector<1000x1xf32>
    %add3A_7 = arith.addf %add3A, %add3A_6 : vector<1000x1xf32>
    %rsqrt3A = math.rsqrt %add3A_7 : vector<1000x1xf32>
    %swap3A = arith.constant 0 : index
    %swap3A_8 = arith.constant 0 : index
    %swap3A_9 = vector.load %arg7[%swap3A, %swap3A_8] : memref<1000x1xf32, #tpu.memory_space<vmem>>, vector<1000x1xf32>
    tpu.vector_store %arg7[%swap3A, %swap3A_8], %rsqrt3A {strides = array<i32>} : memref<1000x1xf32, #tpu.memory_space<vmem>>, vector<1000x1xf32>,
    %get3A_10 = arith.constant 0 : index
    %get3A_11 = arith.constant 0 : index
    %get3A_12 = vector.load %arg3[%get3A_10, %get3A_11] : memref<1000x128xf32, #tpu.memory_space<vmem>>, vector<1000x128xf32>
    %mul3A = vector.broadcast %rsqrt3A : vector<1000x1xf32> to vector<1000x128xf32>
    %mul3A_13 = arith.mulf %get3A_12, %mul3A : vector<1000x128xf32>
    %swap3A_14 = arith.constant 0 : index
    %swap3A_15 = arith.constant 0 : index
    %swap3A_16 = vector.load %arg4[%swap3A_14, %swap3A_15] : memref<1000x128xf32, #tpu.memory_space<vmem>>, vector<1000x128xf32>
    tpu.vector_store %arg4[%swap3A_14, %swap3A_15], %mul3A_13 {strides = array<i32>} : memref<1000x128xf32, #tpu.memory_space<vmem>>, vector<1000x128xf32>,
    %slice3A = vector.extract_strided_slice %mul3A_13 {offsets = [0, 0], sizes = [1000, 64], strides = [1, 1]} : vector<1000x128xf32> to vector<1000x64xf32>
    %swap3A_17 = arith.constant 0 : index
    %swap3A_18 = arith.constant 0 : index
    %swap3A_19 = vector.load %arg5[%swap3A_17, %swap3A_18] : memref<1000x64xf32, #tpu.memory_space<vmem>>, vector<1000x64xf32>
    tpu.vector_store %arg5[%swap3A_17, %swap3A_18], %slice3A {strides = array<i32>} : memref<1000x64xf32, #tpu.memory_space<vmem>>, vector<1000x64xf32>,
    %slice3A_20 = vector.extract_strided_slice %mul3A_13 {offsets = [0, 64], sizes = [1000, 64], strides = [1, 1]} : vector<1000x128xf32> to vector<1000x64xf32>
    %swap3A_21 = arith.constant 0 : index
    %swap3A_22 = arith.constant 0 : index
    %swap3A_23 = vector.load %arg6[%swap3A_21, %swap3A_22] : memref<1000x64xf32, #tpu.memory_space<vmem>>, vector<1000x64xf32>
    tpu.vector_store %arg6[%swap3A_21, %swap3A_22], %slice3A_20 {strides = array<i32>} : memref<1000x64xf32, #tpu.memory_space<vmem>>, vector<1000x64xf32>,
    return
  }
  func.func @transform_0(%arg0: i32) -> (i32, i32) {
    %c0_i32 = arith.constant 0 : i32
    %c0_i32_0 = arith.constant 0 : i32
    return %arg0, %c0_i32 : i32, i32
  }
  func.func @transform_1(%arg0: i32) -> (i32, i32) {
    %c0_i32 = arith.constant 0 : i32
    %c0_i32_0 = arith.constant 0 : i32
    return %arg0, %c0_i32 : i32, i32
  }
  func.func @transform_2(%arg0: i32) -> (i32, i32) {
    %c0_i32 = arith.constant 0 : i32
    %c0_i32_0 = arith.constant 0 : i32
    return %arg0, %c0_i32 : i32, i32
  }
  func.func @transform_3(%arg0: i32) -> (i32, i32) {
    %c0_i32 = arith.constant 0 : i32
    %c0_i32_0 = arith.constant 0 : i32
    return %arg0, %c0_i32 : i32, i32
  }
  func.func @transform_4(%arg0: i32) -> (i32, i32) {
    %c0_i32 = arith.constant 0 : i32
    %c0_i32_0 = arith.constant 0 : i32
    return %arg0, %c0_i32 : i32, i32
  }
  func.func @transform_5(%arg0: i32) -> (i32, i32) {
    %c0_i32 = arith.constant 0 : i32
    %c0_i32_0 = arith.constant 0 : i32
    return %arg0, %c0_i32 : i32, i32
  }
  func.func @transform_6(%arg0: i32) -> (i32, i32) {
    %c0_i32 = arith.constant 0 : i32
    %c0_i32_0 = arith.constant 0 : i32
    return %arg0, %c0_i32 : i32, i32
  }
}

module attributes {stable_mosaic.version = 14 : i64} {
  func.func @_tc_mid_body(%arg0: i32, %arg1: memref<1000x64xf32, #tpu.memory_space<vmem>>, %arg2: memref<1000x64xf32, #tpu.memory_space<vmem>>, %arg3: memref<1000x64xf32, #tpu.memory_space<vmem>>, %arg4: memref<1000x64xf32, #tpu.memory_space<vmem>>, %arg5: memref<1000x128xf32, #tpu.memory_space<vmem>>, %arg6: memref<1000x1xf32, #tpu.memory_space<vmem>>, %arg7: memref<128x256xf32, #tpu.memory_space<vmem>>, %arg8: memref<1x256xf32, #tpu.memory_space<vmem>>, %arg9: memref<256x64xf32, #tpu.memory_space<vmem>>, %arg10: memref<1000x64xf32, #tpu.memory_space<vmem>>) attributes {dimension_semantics = [#tpu.dimension_semantics<arbitrary>], iteration_bounds = array<i64: 10>, scalar_prefetch = 0 : i64, scratch_operands = 0 : i64, tpu.core_type = #tpu.core_type<tc>, window_params = [{transform_indices = @transform_0, window_bounds = array<i64: 1000, 64>}, {transform_indices = @transform_1, window_bounds = array<i64: 1000, 64>}, {transform_indices = @transform_2, window_bounds = array<i64: 1000, 64>}, {transform_indices = @transform_3, window_bounds = array<i64: 1000, 64>}, {transform_indices = @transform_4, window_bounds = array<i64: 1000, 128>}, {transform_indices = @transform_5, window_bounds = array<i64: 1000, 1>}, {pipeline_mode = #tpu.pipeline_mode<synchronous>, transform_indices = @transform_6, window_bounds = array<i64: 128, 256>}, {pipeline_mode = #tpu.pipeline_mode<synchronous>, transform_indices = @transform_7, window_bounds = array<i64: 1, 256>}, {pipeline_mode = #tpu.pipeline_mode<synchronous>, transform_indices = @transform_8, window_bounds = array<i64: 256, 64>}, {transform_indices = @transform_9, window_bounds = array<i64: 1000, 64>}]} {
    %get3A = arith.constant 0 : index
    %get3A_0 = arith.constant 0 : index
    %get3A_1 = vector.load %arg6[%get3A, %get3A_0] : memref<1000x1xf32, #tpu.memory_space<vmem>>, vector<1000x1xf32>
    %get3A_2 = arith.constant 0 : index
    %get3A_3 = arith.constant 0 : index
    %get3A_4 = vector.load %arg5[%get3A_2, %get3A_3] : memref<1000x128xf32, #tpu.memory_space<vmem>>, vector<1000x128xf32>
    %get3A_5 = arith.constant 0 : index
    %get3A_6 = arith.constant 0 : index
    %get3A_7 = vector.load %arg1[%get3A_5, %get3A_6] : memref<1000x64xf32, #tpu.memory_space<vmem>>, vector<1000x64xf32>
    %get3A_8 = arith.constant 0 : index
    %get3A_9 = arith.constant 0 : index
    %get3A_10 = vector.load %arg2[%get3A_8, %get3A_9] : memref<1000x64xf32, #tpu.memory_space<vmem>>, vector<1000x64xf32>
    %add3A = arith.addf %get3A_7, %get3A_10 : vector<1000x64xf32>
    %slice3A = vector.extract_strided_slice %get3A_4 {offsets = [0, 0], sizes = [1000, 64], strides = [1, 1]} : vector<1000x128xf32> to vector<1000x64xf32>
    %add3A_11 = arith.addf %add3A, %slice3A : vector<1000x64xf32>
    %get3A_12 = arith.constant 0 : index
    %get3A_13 = arith.constant 0 : index
    %get3A_14 = vector.load %arg3[%get3A_12, %get3A_13] : memref<1000x64xf32, #tpu.memory_space<vmem>>, vector<1000x64xf32>
    %get3A_15 = arith.constant 0 : index
    %get3A_16 = arith.constant 0 : index
    %get3A_17 = vector.load %arg4[%get3A_15, %get3A_16] : memref<1000x64xf32, #tpu.memory_space<vmem>>, vector<1000x64xf32>
    %add3A_18 = arith.addf %get3A_14, %get3A_17 : vector<1000x64xf32>
    %slice3A_19 = vector.extract_strided_slice %get3A_4 {offsets = [0, 64], sizes = [1000, 64], strides = [1, 1]} : vector<1000x128xf32> to vector<1000x64xf32>
    %add3A_20 = arith.addf %add3A_18, %slice3A_19 : vector<1000x64xf32>
    %concatenate3A = tpu.concatenate %add3A_11, %add3A_20 in 1 : vector<1000x64xf32>, vector<1000x64xf32> -> vector<1000x128xf32>
    %mul3A = vector.broadcast %get3A_1 : vector<1000x1xf32> to vector<1000x128xf32>
    %mul3A_21 = arith.mulf %concatenate3A, %mul3A : vector<1000x128xf32>
    %get3A_22 = arith.constant 0 : index
    %get3A_23 = arith.constant 0 : index
    %get3A_24 = vector.load %arg7[%get3A_22, %get3A_23] : memref<128x256xf32, #tpu.memory_space<vmem>>, vector<128x256xf32>
    %dot_general3A = arith.constant dense<0.000000e+00> : vector<1000x256xf32>
    %dot_general3A_25 = tpu.matmul %mul3A_21, %get3A_24, %dot_general3A {dimension_numbers = #tpu.dot_dimension_numbers<[1], [0], [0], [1], [0, 0, 1, 1], [], []>, transpose_lhs_hint = false} : vector<1000x128xf32>, vector<128x256xf32>, vector<1000x256xf32> -> vector<1000x256xf32>
    %get3A_26 = arith.constant 0 : index
    %get3A_27 = arith.constant 0 : index
    %get3A_28 = vector.load %arg8[%get3A_26, %get3A_27] : memref<1x256xf32, #tpu.memory_space<vmem>>, vector<1x256xf32>
    %add3A_29 = vector.broadcast %get3A_28 : vector<1x256xf32> to vector<1000x256xf32>
    %add3A_30 = arith.addf %dot_general3A_25, %add3A_29 : vector<1000x256xf32>
    %max3A = arith.constant 0.000000e+00 : f32
    %max3A_31 = vector.broadcast %max3A : f32 to vector<1000x256xf32>
    %max3A_32 = arith.maximumf %add3A_30, %max3A_31 : vector<1000x256xf32>
    %get3A_33 = arith.constant 0 : index
    %get3A_34 = arith.constant 0 : index
    %get3A_35 = vector.load %arg9[%get3A_33, %get3A_34] : memref<256x64xf32, #tpu.memory_space<vmem>>, vector<256x64xf32>
    %dot_general3A_36 = arith.constant dense<0.000000e+00> : vector<1000x64xf32>
    %dot_general3A_37 = tpu.matmul %max3A_32, %get3A_35, %dot_general3A_36 {dimension_numbers = #tpu.dot_dimension_numbers<[1], [0], [0], [1], [0, 0, 1, 1], [], []>, transpose_lhs_hint = false} : vector<1000x256xf32>, vector<256x64xf32>, vector<1000x64xf32> -> vector<1000x64xf32>
    %mul3A_38 = vector.broadcast %get3A_1 : vector<1000x1xf32> to vector<1000x64xf32>
    %mul3A_39 = arith.mulf %dot_general3A_37, %mul3A_38 : vector<1000x64xf32>
    %swap3A = arith.constant 0 : index
    %swap3A_40 = arith.constant 0 : index
    %swap3A_41 = vector.load %arg10[%swap3A, %swap3A_40] : memref<1000x64xf32, #tpu.memory_space<vmem>>, vector<1000x64xf32>
    tpu.vector_store %arg10[%swap3A, %swap3A_40], %mul3A_39 {strides = array<i32>} : memref<1000x64xf32, #tpu.memory_space<vmem>>, vector<1000x64xf32>,
    return
  }
  func.func @transform_0(%arg0: i32) -> (i32, i32) {
    %c0_i32 = arith.constant 0 : i32
    %c0_i32_0 = arith.constant 0 : i32
    return %arg0, %c0_i32 : i32, i32
  }
  func.func @transform_1(%arg0: i32) -> (i32, i32) {
    %c0_i32 = arith.constant 0 : i32
    %c0_i32_0 = arith.constant 0 : i32
    return %arg0, %c0_i32 : i32, i32
  }
  func.func @transform_2(%arg0: i32) -> (i32, i32) {
    %c0_i32 = arith.constant 0 : i32
    %c0_i32_0 = arith.constant 0 : i32
    return %arg0, %c0_i32 : i32, i32
  }
  func.func @transform_3(%arg0: i32) -> (i32, i32) {
    %c0_i32 = arith.constant 0 : i32
    %c0_i32_0 = arith.constant 0 : i32
    return %arg0, %c0_i32 : i32, i32
  }
  func.func @transform_4(%arg0: i32) -> (i32, i32) {
    %c0_i32 = arith.constant 0 : i32
    %c0_i32_0 = arith.constant 0 : i32
    return %arg0, %c0_i32 : i32, i32
  }
  func.func @transform_5(%arg0: i32) -> (i32, i32) {
    %c0_i32 = arith.constant 0 : i32
    %c0_i32_0 = arith.constant 0 : i32
    return %arg0, %c0_i32 : i32, i32
  }
  func.func @transform_6(%arg0: i32) -> (i32, i32) {
    %c0_i32 = arith.constant 0 : i32
    %c0_i32_0 = arith.constant 0 : i32
    %c0_i32_1 = arith.constant 0 : i32
    return %c0_i32, %c0_i32_0 : i32, i32
  }
  func.func @transform_7(%arg0: i32) -> (i32, i32) {
    %c0_i32 = arith.constant 0 : i32
    %c0_i32_0 = arith.constant 0 : i32
    %c0_i32_1 = arith.constant 0 : i32
    return %c0_i32, %c0_i32_0 : i32, i32
  }
  func.func @transform_8(%arg0: i32) -> (i32, i32) {
    %c0_i32 = arith.constant 0 : i32
    %c0_i32_0 = arith.constant 0 : i32
    %c0_i32_1 = arith.constant 0 : i32
    return %c0_i32, %c0_i32_0 : i32, i32
  }
  func.func @transform_9(%arg0: i32) -> (i32, i32) {
    %c0_i32 = arith.constant 0 : i32
    %c0_i32_0 = arith.constant 0 : i32
    return %arg0, %c0_i32 : i32, i32
  }
}

module attributes {stable_mosaic.version = 14 : i64} {
  func.func @_tc_final_body(%arg0: i32, %arg1: memref<1000x64xf32, #tpu.memory_space<vmem>>, %arg2: memref<1000x64xf32, #tpu.memory_space<vmem>>, %arg3: memref<1000x64xf32, #tpu.memory_space<vmem>>, %arg4: memref<1000x1xf32, #tpu.memory_space<vmem>>, %arg5: memref<1x64xf32, #tpu.memory_space<vmem>>, %arg6: memref<1000x64xf32, #tpu.memory_space<vmem>>) attributes {dimension_semantics = [#tpu.dimension_semantics<arbitrary>], iteration_bounds = array<i64: 10>, scalar_prefetch = 0 : i64, scratch_operands = 0 : i64, tpu.core_type = #tpu.core_type<tc>, window_params = [{transform_indices = @transform_0, window_bounds = array<i64: 1000, 64>}, {transform_indices = @transform_1, window_bounds = array<i64: 1000, 64>}, {transform_indices = @transform_2, window_bounds = array<i64: 1000, 64>}, {transform_indices = @transform_3, window_bounds = array<i64: 1000, 1>}, {pipeline_mode = #tpu.pipeline_mode<synchronous>, transform_indices = @transform_4, window_bounds = array<i64: 1, 64>}, {transform_indices = @transform_5, window_bounds = array<i64: 1000, 64>}]} {
    %get3A = arith.constant 0 : index
    %get3A_0 = arith.constant 0 : index
    %get3A_1 = vector.load %arg1[%get3A, %get3A_0] : memref<1000x64xf32, #tpu.memory_space<vmem>>, vector<1000x64xf32>
    %get3A_2 = arith.constant 0 : index
    %get3A_3 = arith.constant 0 : index
    %get3A_4 = vector.load %arg2[%get3A_2, %get3A_3] : memref<1000x64xf32, #tpu.memory_space<vmem>>, vector<1000x64xf32>
    %add3A = arith.addf %get3A_1, %get3A_4 : vector<1000x64xf32>
    %get3A_5 = arith.constant 0 : index
    %get3A_6 = arith.constant 0 : index
    %get3A_7 = vector.load %arg3[%get3A_5, %get3A_6] : memref<1000x64xf32, #tpu.memory_space<vmem>>, vector<1000x64xf32>
    %add3A_8 = arith.addf %add3A, %get3A_7 : vector<1000x64xf32>
    %get3A_9 = arith.constant 0 : index
    %get3A_10 = arith.constant 0 : index
    %get3A_11 = vector.load %arg4[%get3A_9, %get3A_10] : memref<1000x1xf32, #tpu.memory_space<vmem>>, vector<1000x1xf32>
    %mul3A = vector.broadcast %get3A_11 : vector<1000x1xf32> to vector<1000x64xf32>
    %mul3A_12 = arith.mulf %add3A_8, %mul3A : vector<1000x64xf32>
    %get3A_13 = arith.constant 0 : index
    %get3A_14 = arith.constant 0 : index
    %get3A_15 = vector.load %arg5[%get3A_13, %get3A_14] : memref<1x64xf32, #tpu.memory_space<vmem>>, vector<1x64xf32>
    %add3A_16 = vector.broadcast %get3A_15 : vector<1x64xf32> to vector<1000x64xf32>
    %add3A_17 = arith.addf %mul3A_12, %add3A_16 : vector<1000x64xf32>
    %swap3A = arith.constant 0 : index
    %swap3A_18 = arith.constant 0 : index
    %swap3A_19 = vector.load %arg6[%swap3A, %swap3A_18] : memref<1000x64xf32, #tpu.memory_space<vmem>>, vector<1000x64xf32>
    tpu.vector_store %arg6[%swap3A, %swap3A_18], %add3A_17 {strides = array<i32>} : memref<1000x64xf32, #tpu.memory_space<vmem>>, vector<1000x64xf32>,
    return
  }
  func.func @transform_0(%arg0: i32) -> (i32, i32) {
    %c0_i32 = arith.constant 0 : i32
    %c0_i32_0 = arith.constant 0 : i32
    return %arg0, %c0_i32 : i32, i32
  }
  func.func @transform_1(%arg0: i32) -> (i32, i32) {
    %c0_i32 = arith.constant 0 : i32
    %c0_i32_0 = arith.constant 0 : i32
    return %arg0, %c0_i32 : i32, i32
  }
  func.func @transform_2(%arg0: i32) -> (i32, i32) {
    %c0_i32 = arith.constant 0 : i32
    %c0_i32_0 = arith.constant 0 : i32
    return %arg0, %c0_i32 : i32, i32
  }
  func.func @transform_3(%arg0: i32) -> (i32, i32) {
    %c0_i32 = arith.constant 0 : i32
    %c0_i32_0 = arith.constant 0 : i32
    return %arg0, %c0_i32 : i32, i32
  }
  func.func @transform_4(%arg0: i32) -> (i32, i32) {
    %c0_i32 = arith.constant 0 : i32
    %c0_i32_0 = arith.constant 0 : i32
    %c0_i32_1 = arith.constant 0 : i32
    return %c0_i32, %c0_i32_0 : i32, i32
  }
  func.func @transform_5(%arg0: i32) -> (i32, i32) {
    %c0_i32 = arith.constant 0 : i32
    %c0_i32_0 = arith.constant 0 : i32
    return %arg0, %c0_i32 : i32, i32
  }
}

</mosaic_0001>

<sc_bundles>
// kernel: kernel.11.cloned.1.call-start
scs
__scs_entry_jumppad:
0x0: {  	(pc) =	sbr.rel $0x88, $3  }
0x1: {  	(tag) =	ssettag $0x0;
	lr =	simm.s32 $0x1  }
0x2: {  	[smem:$0x3F9B] =	sst lr;
	_ =	strace $0xD0000000  }
0x3: {  	_ = 	snop  }
0x4: {  	_ = 	snop  }
0x5: {  	_ = 	snop  }
0x6: {  	_ = 	snop  }
0x7: {  	_ = 	snop  }
__scs_overlays_trampoline_lowered:
0x8: {  	[smem:$0x3FAA] =	sst s0  }
0x9: {  	[smem:$0x3FAB] =	sst s1  }
0xa: {  	[smem:$0x3FAC] =	sst s2  }
0xb: {  	[smem:$0x3FAD] =	sst s3  }
0xc: {  	[smem:$0x3FAE] =	sst s4  }
0xd: {  	[smem:$0x3FAF] =	sst s5  }
0xe: {  	[smem:$0x3FB0] =	sst s6  }
0xf: {  	[smem:$0x3FB1] =	sst s7  }
0x10: {  	[smem:$0x3FB2] =	sst s8  }
0x11: {  	[smem:$0x3FB3] =	sst s9;
	s0 =	simm.s32 @!p0 $0x0  }
0x12: {  	s1 =	sld [smem:$0x3F99];
	s0 =	simm.s32 @p0 $0x1  }
0x13: {  	[smem:$0x3FB4] =	sst s0;
	s0 =	simm.s32 @!p1 $0x0  }
0x14: {  	s2 =	sld [smem:$0x3F98];
	s0 =	simm.s32 @p1 $0x1  }
0x15: {  	[smem:$0x3FB5] =	sst s0;
	s0 =	simm.s32 @!p2 $0x0  }
0x16: {  	s3 =	sld [smem:$0x3FDB];
	s0 =	simm.s32 @p2 $0x1  }
0x17: {  	s4 =	simm.s32 $0x1BF5;
	[smem:$0x3FB7] =	sst s0  }
0x18: {  	s0 =	sld [smem:$0x3F9A];
	_ =	swait.ge [sflag:s4], $0x0  }
0x19: {  	s7 =	sld [smem:$0x3F9B]  }
0x1a: {  	s8 =	sadd.s32 $0xFFFFE003, lr  }
0x1b: {  	s9 =	sadd.s32 $0xFFFFFEF7, lr;
	s5 =	simm.s32 $0xFFFFFFFF;
	p2 =	slt.u32 s8, $0xFFFFF086  }
0x1c: {  	p1 =	slt.u32 s9, $0xF7A;
	s5 =	simm.s32 @!p2 $0x0  }
0x1d: {  	s5 =	simm.s32 @p1 $0x1;
	p0 =	seq.s32 s7, s2  }
0x1e: {  	s7 =	smul.u32 @!p0 $0xF7A, s2;
	p2 =	seq.s32 @!p0 s5, $0x0  }
0x1f: {  	s9 =	smul.u32 $0xF7A, s1;
	s8 =	simm.s32 @!p0 $0x1BF5;
	p2 =	por !p2, p0  }
0x20: {  	[sflag:s8] =	ssyncset.s32 @!p0 $0xFFFFF086;
	s6 =	sadd.s32 @!p0 s3, s7;
	s7 =	simm.s32 @!p0 $0x108  }
0x21: {  	s3 =	sadd.s32 s3, s9;
	s6 =	sadd.s32 @!p0 $0x88, s6;
	s7 =	simm.s32 @p2 $0x1082  }
0x22: {  	[simem:s7], [sflag:s8] =	dma.local @!p0 [hbm:s6], $0xF7A  }
0x23: {  	s9 =	sor.u32 $0xD0000000, s2;
	s6 =	simm.s32 $0x108;
	_ =	swait.ge @!p0 [sflag:s8], $0x0  }
0x24: {  	s3 =	sadd.s32 $0x88, s3;
	s6 =	simm.s32 @!p1 $0x1082;
	[sflag:s4] =	ssyncset.s32 $0xFFFFF086  }
0x25: {  	[simem:s6], [sflag:s4] =	dma.local [hbm:s3], $0xF7A  }
0x26: {  	[smem:$0x3F9B] =	sst s1;
	(tag) =	ssettag s2;
	_ =	strace s9  }
0x27: {  	s1 =	sld [smem:$0x3FAB]  }
0x28: {  	s2 =	sld [smem:$0x3FAC]  }
0x29: {  	s4 =	sld [smem:$0x3FAE]  }
0x2a: {  	p0 =	seq.s32 s5, $0x0;
	s5 =	sld [smem:$0x3FAF]  }
0x2b: {  	s6 =	sld [smem:$0x3FB0]  }
0x2c: {  	s7 =	sld [smem:$0x3FB1]  }
0x2d: {  	s3 =	simm.s32 $0x108;
	s8 =	sld [smem:$0x3FB2]  }
0x2e: {  	s3 =	simm.s32 @!p0 $0x1082;
	s9 =	sld [smem:$0x3FB3]  }
0x2f: {  	lr =	sadd.s32 s0, s3;
	s0 =	sld [smem:$0x3FAA]  }
0x30: {  	s3 =	sld [smem:$0x3FAD]  }
0x31: {  	[smem:$0x3FB6] =	sst s10  }
0x32: {  	s10 =	sld [smem:$0x3FB4];
	_ =	sdelay $0x3  }
0x33: {  	p0 =	seq.s32 s10, $0x1;
	s10 =	sld [smem:$0x3FB6];
	_ =	sdelay $0x3  }
0x34: {  	[smem:$0x3FB6] =	sst s10  }
0x35: {  	s10 =	sld [smem:$0x3FB5];
	_ =	sdelay $0x3  }
0x36: {  	p1 =	seq.s32 s10, $0x1;
	s10 =	sld [smem:$0x3FB6];
	_ =	sdelay $0x3  }
0x37: {  	[smem:$0x3FB6] =	sst s10  }
0x38: {  	s10 =	sld [smem:$0x3FB7]  }
0x39: {  	_ = 	snop;
	(pc) =	sbr.ind lr, $3  }
0x3a: {  	_ = 	snop  }
0x3b: {  	_ = 	snop  }
0x3c: {  	p2 =	seq.s32 s10, $0x1;
	s10 =	sld [smem:$0x3FB6]  }
0x3d: {  	_ =	shalt  }
0x3e: {  	_ =	shalt  }
0x3f: {  	_ =	shalt  }
0x40: {  	_ =	shalt  }
0x41: {  	_ =	shalt  }
0x42: {  	_ =	shalt  }
0x43: {  	_ =	shalt  }
0x44: {  	_ =	shalt  }
0x45: {  	_ =	shalt  }
0x46: {  	_ =	shalt  }
0x47: {  	_ =	shalt  }
0x48: {  	_ =	shalt  }
0x49: {  	_ =	shalt  }
0x4a: {  	_ =	shalt  }
0x4b: {  	_ =	shalt  }
0x4c: {  	_ =	shalt  }
0x4d: {  	_ =	shalt  }
0x4e: {  	_ =	shalt  }
0x4f: {  	_ =	shalt  }
0x50: {  	_ =	shalt  }
0x51: {  	_ =	shalt  }
0x52: {  	_ =	shalt  }
0x53: {  	_ =	shalt  }
0x54: {  	_ =	shalt  }
0x55: {  	_ =	shalt  }
0x56: {  	_ =	shalt  }
0x57: {  	_ =	shalt  }
0x58: {  	_ =	shalt  }
0x59: {  	_ =	shalt  }
0x5a: {  	_ =	shalt  }
0x5b: {  	_ =	shalt  }
0x5c: {  	_ =	shalt  }
0x5d: {  	_ =	shalt  }
0x5e: {  	_ =	shalt  }
0x5f: {  	_ =	shalt  }
0x60: {  	_ =	shalt  }
0x61: {  	_ =	shalt  }
0x62: {  	_ =	shalt  }
0x63: {  	_ =	shalt  }
0x64: {  	_ =	shalt  }
0x65: {  	_ =	shalt  }
0x66: {  	_ =	shalt  }
0x67: {  	_ =	shalt  }
0x68: {  	_ =	shalt  }
0x69: {  	_ =	shalt  }
0x6a: {  	_ =	shalt  }
0x6b: {  	_ =	shalt  }
0x6c: {  	_ =	shalt  }
0x6d: {  	_ =	shalt  }
0x6e: {  	_ =	shalt  }
0x6f: {  	_ =	shalt  }
0x70: {  	_ =	shalt  }
0x71: {  	_ =	shalt  }
0x72: {  	_ =	shalt  }
0x73: {  	_ =	shalt  }
0x74: {  	_ =	shalt  }
0x75: {  	_ =	shalt  }
0x76: {  	_ =	shalt  }
0x77: {  	_ =	shalt  }
0x78: {  	_ =	shalt  }
0x79: {  	_ =	shalt  }
0x7a: {  	_ =	shalt  }
0x7b: {  	_ =	shalt  }
0x7c: {  	_ =	shalt  }
0x7d: {  	_ =	shalt  }
0x7e: {  	_ =	shalt  }
0x7f: {  	_ =	shalt  }
0x80: {  	_ =	shalt  }
0x81: {  	_ =	shalt  }
0x82: {  	_ =	shalt  }
0x83: {  	_ =	shalt  }
0x84: {  	_ =	shalt  }
0x85: {  	_ =	shalt  }
0x86: {  	_ =	shalt  }
0x87: {  	_ =	shalt  }
.Lfunc_end0:
.L_simem_size_0:
called_computation.1_lowered:
.L_overlay_start_0:
0x88: {  	s2 =	sld [smem:$0x3FD9]  }
0x89: {  	s3 =	sld [smem:$0x3FFE];
	_ =	sdelay $0x1  }
0x8a: {  	s1 =	srdreg.scid  }
0x8b: {  	s0 =	sand.u32 $0x1, s1  }
0x8c: {  	s17 =	sshll.u32 s0, $0xA;
	s2 =	sadd.s32 s3, s2  }
0x8d: {  	s2 =	sadd.s32 s2, s17  }
0x8e: {  	[smem:$0x3FC2] =	sst s2  }
0x8f: {  	_ = 	snop  }
0x90: {  	s2 =	sld [smem:$0x3FD0];
	(tm) =	ssettm $0x1  }
0x91: {  	s18 =	sld [smem:$0x3FFB];
	_ =	sdelay $0x3  }
0x92: {  	_ =	strace s18  }
0x93: {  	s3 =	sld [smem:$0x3FFC];
	_ =	sdelay $0x3  }
0x94: {  	_ =	strace s3  }
0x95: {  	s3 =	sld [smem:$0x3FFD];
	_ =	sdelay $0x3  }
0x96: {  	_ =	strace s3  }
0x97: {  	_ =	strace $0x8FFFFFFF  }
0x98: {  	s19 =	sld [smem:$0x3FDB];
	_ =	sdelay $0x1  }
0x99: {  	s4 =	simm.s32 $_scs_section_size  }
0x9a: {  	s5 =	simm.s32 $_size__tile_overlayer_lowered;
	s6 =	simm.s32 $_tile_overlayer_lowered  }
0x9b: {  	s22 =	simm.s32 $0x1BFF;
	s21 =	sshll.u32 s6, $0x1;
	s3 =	sadd.s32 s4, s19  }
0x9c: {  	s7 =	simm.s32 $0x0;
	s20 =	sshll.u32 s5, $0x1;
	s5 =	sadd.s32 s21, s3  }
0x9d: {  	[timem:s7], [sflag:s22] =	dma.local [hbm:s5], s20  }
0x9e: {  	_ =	swait.ge [sflag:s22], s20  }
0x9f: {  	s4 =	ssub.s32 $0x0, s20;
	[sflag:s22] =	ssyncset.done $0x0  }
0xa0: {  	[sflag:s22] =	ssyncadd.s32 s4;
	_ =	sdelay $0x1  }
0xa1: {  	s23 =	simm.s32 $0x1B8B  }
0xa2: {  	_ =	swait.ge [sflag:s23], $0x1  }
0xa3: {  	[sflag:s23] =	ssyncset.done $0x0  }
0xa4: {  	s25 =	simm.s32 $0x1B8E;
	s24 =	sld [smem:$0x3FFE];
	[sflag:s23] =	ssyncadd.s32 $0xFFFFFFFF  }
0xa5: {  	s26 =	simm.s32 $execute0_lowered;
	[smem:$0x3FD2] =	sst s25  }
0xa6: {  	s5 =	sshll.u32 s26, $0x1;
	_ =	strace $0x80000049;
	[dreg:$0x1] =	wrdreg $0xFFFFFFFF  }
0xa7: {  	s28 =	simm.s32 $_size_execute0_lowered;
	s3 =	sadd.s32 s3, s5;
	[dreg:$0x0] =	wrdreg $0x0  }
0xa8: {  	s5 =	sshll.u32 s28, $0x1;
	[dreg:$0x2] =	wrdreg s3  }
0xa9: {  	[dreg:$0x3] =	wrdreg s5  }
0xaa: {  	[dreg:$0x4] =	wrdreg $0xC0  }
0xab: {  	_ =	task [dreg:s7], $0x5FFFF  }
0xac: {  	[dreg:$0x1] =	wrdreg $0xFFFFFFFF  }
0xad: {  	[dreg:$0x0] =	wrdreg $0x60  }
0xae: {  	[dreg:$0x2] =	wrdreg s24  }
0xaf: {  	[dreg:$0x3] =	wrdreg s2  }
0xb0: {  	[dreg:$0x4] =	wrdreg $0x51000  }
0xb1: {  	[dreg:$0x5] =	wrdreg $0xED400  }
0xb2: {  	[dreg:$0x6] =	wrdreg $0x9  }
0xb3: {  	_ =	task.clear_ibuf [dreg:s7], $0x7FFFF;
	_ =	strace $0x90000049  }
0xb4: {  	s29 =	simm.s32 $0x9;
	_ =	strace $0x8000004B  }
0xb5: {  	_ =	swait.ge [sflag:s29], $0x1  }
0xb6: {  	[sflag:s29] =	ssyncadd.s32 $0xFFFFFFFF  }
0xb7: {  	_ =	strace $0x9000004B  }
0xb8: {  	_ =	sfence  }
0xb9: {  	s30 =	sld [smem:$0x0];
	_ =	sdelay $0x2  }
0xba: {  	s31 =	sshll.u32 s1, $0xD;
	s1 =	sshrl.u32 s1, $0x2  }
0xbb: {  	s3 =	sand.u32 $0x4000, s31;
	s1 =	sadd.s32 s1, s30  }
0xbc: {  	s0 =	sor.u32 s3, s0;
	s1 =	sshll.u32 s1, $0x11  }
0xbd: {  	s0 =	sor.u32 s1, s0  }
0xbe: {  	s0 =	sadd.s32 $0x8F2B, s0  }
0xbf: {  	[sflag:s0] =	ssyncadd.remote.s32 $0x1  }
0xc0: {  	_ =	sfence.sel $0xFFFF  }
0xc1: {  	[dreg:$0x0] =	wrdreg $0xFFFFFFFF;
	(pc) =	sbr.abs _section_cstart, $3  }
0xc2: {  	[dreg:$0x1] =	wrdreg $0xFFFFFFFF  }
0xc3: {  	_ =	task.clear_ibuf [dreg:s7], $0x2FFFF;
	_ =	strace $0x9FFFFFFF  }
0xc4: {  	(tm) =	ssettm $0x7FFFFFFF  }
0xc5: {  	_ =	shalt  }
tec
execute0_lowered:
.L_overlay_start_1:
0x0: {  	(tag) =	ssettag $0x1  }
0x1: {  	s0 =	srdreg.scid;
	s1 =	rddreg [dreg:$0x0]  }
0x2: {  	s15 =	stileid.u32;
	s5 =	rddreg [dreg:$0x1];
	s4 =	simm.s32 $0x0  }
0x3: {  	s18 =	simm.s32 $0x80;
	s19 =	simm.s32 $0x18D40;
	s20 =	simm.s32 $0x1AD40  }
0x4: {  	s21 =	simm.s32 $0x100;
	s22 =	simm.s32 $0x1CD40;
	s23 =	simm.s32 $0x1  }
0x5: {  	s28 =	simm.s32 $0x5;
	s29 =	simm.s32 $0x6;
	s30 =	simm.s32 $0x4F80  }
0x6: {  	s31 =	simm.s32 $0x5000;
	s0 =	sand.u32 $0x1, s0;
	s7 =	smul.u32 $0x9C40, s15  }
0x7: {  	s2 =	sshll.u32 s15, $0x1;
	s8 =	smul.u32 $0xA000, s15;
	[smem:$0x7FF] =	sst s4  }
0x8: {  	s26 =	sshll.u32 s15, $0x6;
	s3 =	sor.u32 s0, s2;
	s2 =	rddreg [dreg:$0x2]  }
0x9: {  	s10 =	smul.u32 $0xA0000, s0;
	s0 =	ssub.s32 $0x2, s0;
	s15 =	sor.u32 $0x1C07, s26  }
0xa: {  	s26 =	simm.s32 $0x4;
	s6 =	smul.u32 $0x510, s3;
	s3 =	rddreg [dreg:$0x3]  }
0xb: {  	s9 =	sshrl.u32 s7, $0x3;
	_ =	strace $0x8000004A;
	s12 =	sshrl.u32 s8, $0x3  }
0xc: {  	s13 =	sshrl.u32 s0, $0x1;
	s14 =	sadd.s32 s7, s2;
	s11 =	sadd.s32 s9, s1  }
0xd: {  	s10 =	sadd.s32 s8, s10;
	s12 =	sadd.s32 s12, s1;
	s0 =	ssub.s32 s0, s13  }
0xe: {  	s7 =	sadd.s32 s5, s9;
	s25 =	sadd.s32 s8, s3;
	s13 =	simm.s32 $0x7  }
0xf: {  	s16 =	sshrl.u32 s14, $0x3;
	s6 =	sadd.s32 s6, s1;
	s10 =	sshrl.u32 s10, $0x3  }
0x10: {  	s8 =	sadd.s32 $0x78A00, s12;
	s12 =	smax.u32 s0, $0x1;
	s17 =	sshrl.u32 s25, $0x3  }
0x11: {  	s25 =	simm.s32 $0x3;
	s0 =	simm.s32 $0x0;
	s24 =	sadd.s32 $0xCA00, s6  }
0x12: {  	s1 =	sadd.s32 s10, s1;
	s6 =	sadd.s32 $0x2800, s6;
	[dreg:$0x5] =	wrdreg s24  }
0x13: {  	s10 =	sadd.s32 $0x65000, s11;
	[dreg:$0x6] =	wrdreg s6;
	s9 =	sadd.s32 $0x8CA00, s1  }
0x14: {  	s11 =	sadd.s32 $0xB4A00, s1;
	s24 =	simm.s32 $0x2;
	s1 =	simm.s32 $0x5080  }
.LBB2_1:
0x15: {  	s5 =	rddreg [dreg:$0x5]  }
0x16: {  	[tilespmem:s4], [sflag:$0x7] =	stream.linear.gather [hbm4b:s5+s4], $0x2880, $0x38;
	[tilespmem:$0x1ED40] =	vst v63  }
0x17: {  	_ =	swait.ge [sflag:s13], $0x2880  }
0x18: {  	[sflag:s13] =	ssyncset.done $0x0  }
0x19: {  	s6 =	simm.s32 $0x2880;
	s14 =	rddreg [dreg:$0x6];
	[sflag:s13] =	ssyncadd.s32 $0xFFFFD780  }
0x1a: {  	[tilespmem:s6], [sflag:$0x7] =	stream.linear.gather [hbm4b:s14+s4], $0x2880, $0x38;
	[tilespmem:$0x1ED40] =	vst v63  }
0x1b: {  	_ =	swait.ge [sflag:s13], $0x2880  }
0x1c: {  	[sflag:s13] =	ssyncset.done $0x0  }
0x1d: {  	[sflag:s13] =	ssyncadd.s32 $0xFFFFD780  }
0x1e: {  	[spmem:s16], [sflag:s15] =	dma.local [hbm:s7], $0x1388  }
0x1f: {  	_ =	swait.ge [sflag:s13], $0x1388  }
0x20: {  	[sflag:s13] =	ssyncset.done $0x0  }
0x21: {  	[sflag:s13] =	ssyncadd.s32 $0xFFFFEC78  }
0x22: {  	[spmem:s17], [sflag:s15] =	dma.local [hbm:s8], $0x1400  }
0x23: {  	_ =	swait.ge [sflag:s13], $0x1400  }
0x24: {  	[sflag:s13] =	ssyncset.done $0x0  }
0x25: {  	[sflag:s13] =	ssyncadd.s32 $0xFFFFEC00  }
0x26: {  	[bflag:$0x0] =	sbarrier.arrive $0xFFFF  }
0x27: {  	[tilespmem:s19], [sflag:$0x1] =	stream.indirect.gather [spmem:s2], $0x40, s4, s18, $0xb8;
	[tilespmem:$0x1ED40] =	vst v63  }
0x28: {  	_ = 	snop  }
0x29: {  	[tilespmem:s20], [sflag:$0x2] =	stream.indirect.gather [spmem:s2], $0x40, s18, s18, $0xb8;
	[tilespmem:$0x1ED40] =	vst v63  }
0x2a: {  	_ = 	snop  }
0x2b: {  	[tilespmem:s22], [sflag:$0x3] =	stream.indirect.gather [spmem:s2], $0x40, s21, s18, $0xb8;
	[tilespmem:$0x1ED40] =	vst v63  }
0x2c: {  	_ =	swait.ge [sflag:s23], $0x2000  }
0x2d: {  	[sflag:s23] =	ssyncset.done $0x0  }
0x2e: {  	s14 =	simm.s32 $0x2880;
	[sflag:s23] =	ssyncadd.s32 $0xFFFFE000  }
0x2f: {  	[spmem:s3] =	stream.indirect.scatter.add.f32 [tilespmem:s19], [sflag:$0x4], $0x40, s14, s18, $0xb8;
	[tilespmem:$0x1ED40] =	vst v63  }
0x30: {  	_ =	swait.ge [sflag:s24], $0x2000  }
0x31: {  	[sflag:s24] =	ssyncset.done $0x0  }
0x32: {  	s6 =	simm.s32 $0x2900;
	[sflag:s24] =	ssyncadd.s32 $0xFFFFE000  }
0x33: {  	[spmem:s3] =	stream.indirect.scatter.add.f32 [tilespmem:s20], [sflag:$0x5], $0x40, s6, s18, $0xb8;
	[tilespmem:$0x1ED40] =	vst v63  }
0x34: {  	_ =	swait.ge [sflag:s25], $0x2000  }
0x35: {  	[sflag:s25] =	ssyncset.done $0x0  }
0x36: {  	s14 =	simm.s32 $0x2980;
	[sflag:s25] =	ssyncadd.s32 $0xFFFFE000  }
0x37: {  	[spmem:s3] =	stream.indirect.scatter.add.f32 [tilespmem:s22], [sflag:$0x6], $0x40, s14, s18, $0xb8;
	[tilespmem:$0x1ED40] =	vst v63  }
0x38: {  	_ =	swait.ge [sflag:s26], $0x2000  }
0x39: {  	[sflag:s26] =	ssyncset.done $0x0  }
0x3a: {  	s6 =	simm.s32 $0x180;
	[sflag:s26] =	ssyncadd.s32 $0xFFFFE000  }
0x3b: {  	[tilespmem:s19], [sflag:$0x1] =	stream.indirect.gather [spmem:s2], $0x40, s6, s18, $0xb8;
	[tilespmem:$0x1ED40] =	vst v63  }
0x3c: {  	_ =	swait.ge [sflag:s28], $0x2000  }
0x3d: {  	[sflag:s28] =	ssyncset.done $0x0  }
0x3e: {  	s14 =	simm.s32 $0x200;
	[sflag:s28] =	ssyncadd.s32 $0xFFFFE000  }
0x3f: {  	[tilespmem:s20], [sflag:$0x2] =	stream.indirect.gather [spmem:s2], $0x40, s14, s18, $0xb8;
	[tilespmem:$0x1ED40] =	vst v63  }
0x40: {  	_ =	swait.ge [sflag:s29], $0x2000  }
0x41: {  	[sflag:s29] =	ssyncset.done $0x0  }
0x42: {  	s5 =	simm.s32 $0x280;
	s14 =	simm.s32 $0x600;
	[sflag:s29] =	ssyncadd.s32 $0xFFFFE000  }
.LBB2_2:
0x43: {  	[tilespmem:s22], [sflag:$0x3] =	stream.indirect.gather [spmem:s2], $0x40, s5, s18, $0xb8;
	[tilespmem:$0x1ED40] =	vst v63  }
0x44: {  	s5 =	smov.u32 s14  }
0x45: {  	p0 =	sne.s32 s14, $0x9600;
	s14 =	sadd.s32 $0x600, s14;
	_ =	swait.ge [sflag:s23], $0x2000  }
0x46: {  	s5 =	sshra.s32 s5, $0x2;
	[sflag:s23] =	ssyncset.done $0x0  }
0x47: {  	s6 =	sadd.s32 $0x2880, s5;
	[sflag:s23] =	ssyncadd.s32 $0xFFFFE000  }
0x48: {  	[spmem:s3] =	stream.indirect.scatter.add.f32 [tilespmem:s19], [sflag:$0x4], $0x40, s6, s18, $0xb8;
	[tilespmem:$0x1ED40] =	vst v63  }
0x49: {  	_ =	swait.ge [sflag:s24], $0x2000  }
0x4a: {  	[sflag:s24] =	ssyncset.done $0x0  }
0x4b: {  	s6 =	sadd.s32 $0x2900, s5;
	[sflag:s24] =	ssyncadd.s32 $0xFFFFE000  }
0x4c: {  	[spmem:s3] =	stream.indirect.scatter.add.f32 [tilespmem:s20], [sflag:$0x5], $0x40, s6, s18, $0xb8;
	[tilespmem:$0x1ED40] =	vst v63  }
0x4d: {  	_ =	swait.ge [sflag:s25], $0x2000  }
0x4e: {  	[sflag:s25] =	ssyncset.done $0x0  }
0x4f: {  	s6 =	sadd.s32 $0x2980, s5;
	[sflag:s25] =	ssyncadd.s32 $0xFFFFE000  }
0x50: {  	[spmem:s3] =	stream.indirect.scatter.add.f32 [tilespmem:s22], [sflag:$0x6], $0x40, s6, s18, $0xb8;
	[tilespmem:$0x1ED40] =	vst v63  }
0x51: {  	_ =	swait.ge [sflag:s26], $0x2000  }
0x52: {  	[sflag:s26] =	ssyncset.done $0x0  }
0x53: {  	s6 =	sadd.s32 $0x180, s5;
	[sflag:s26] =	ssyncadd.s32 $0xFFFFE000  }
0x54: {  	[tilespmem:s19], [sflag:$0x1] =	stream.indirect.gather [spmem:s2], $0x40, s6, s18, $0xb8;
	[tilespmem:$0x1ED40] =	vst v63  }
0x55: {  	_ =	swait.ge [sflag:s28], $0x2000  }
0x56: {  	[sflag:s28] =	ssyncset.done $0x0  }
.Ltmp0:
0x57: {  	s6 =	sadd.s32 $0x200, s5;
	[sflag:s28] =	ssyncadd.s32 $0xFFFFE000;
	(pc) =	sbr.rel @p0 .LBB2_2-.Ltmp0, $4  }
0x58: {  	[tilespmem:s20], [sflag:$0x2] =	stream.indirect.gather [spmem:s2], $0x40, s6, s18, $0xb8;
	[tilespmem:$0x1ED40] =	vst v63  }
0x59: {  	_ =	swait.ge [sflag:s29], $0x2000  }
0x5a: {  	[sflag:s29] =	ssyncset.done $0x0  }
0x5b: {  	s5 =	sadd.s32 $0x280, s5;
	[sflag:s29] =	ssyncadd.s32 $0xFFFFE000  }
0x5c: {  	[tilespmem:s22], [sflag:$0x3] =	stream.indirect.gather [spmem:s2], $0x40, s5, s18, $0xb8;
	[tilespmem:$0x1ED40] =	vst v63  }
0x5d: {  	_ =	swait.ge [sflag:s23], $0x2000  }
0x5e: {  	[sflag:s23] =	ssyncset.done $0x0  }
0x5f: {  	[sflag:s23] =	ssyncadd.s32 $0xFFFFE000  }
0x60: {  	[spmem:s3] =	stream.indirect.scatter.add.f32 [tilespmem:s19], [sflag:$0x4], $0x40, s30, s18, $0xb8;
	[tilespmem:$0x1ED40] =	vst v63  }
0x61: {  	_ =	swait.ge [sflag:s24], $0x2000  }
0x62: {  	[sflag:s24] =	ssyncset.done $0x0  }
0x63: {  	[sflag:s24] =	ssyncadd.s32 $0xFFFFE000  }
0x64: {  	[spmem:s3] =	stream.indirect.scatter.add.f32 [tilespmem:s20], [sflag:$0x5], $0x40, s31, s18, $0xb8;
	[tilespmem:$0x1ED40] =	vst v63  }
0x65: {  	_ =	swait.ge [sflag:s25], $0x2000  }
0x66: {  	[sflag:s25] =	ssyncset.done $0x0  }
0x67: {  	[sflag:s25] =	ssyncadd.s32 $0xFFFFE000  }
0x68: {  	[spmem:s3] =	stream.indirect.scatter.add.f32 [tilespmem:s22], [sflag:$0x6], $0x40, s1, s18, $0xb8;
	[tilespmem:$0x1ED40] =	vst v63  }
0x69: {  	_ =	swait.ge [sflag:s26], $0x2000  }
0x6a: {  	[sflag:s26] =	ssyncset.done $0x0  }
0x6b: {  	[sflag:s26] =	ssyncadd.s32 $0xFFFFE000  }
0x6c: {  	_ =	swait.ge [sflag:s28], $0x2000  }
0x6d: {  	[sflag:s28] =	ssyncset.done $0x0  }
0x6e: {  	[sflag:s28] =	ssyncadd.s32 $0xFFFFE000  }
0x6f: {  	_ =	swait.ge [sflag:s29], $0x2000  }
0x70: {  	[sflag:s29] =	ssyncset.done $0x0  }
0x71: {  	[sflag:s29] =	ssyncadd.s32 $0xFFFFE000  }
0x72: {  	[bflag:$0x0] =	sbarrier.arrive $0xFFFF  }
0x73: {  	[hbm:s9], [sflag:s15] =	dma.local [spmem:s17], $0x1400  }
0x74: {  	_ =	swait.ge [sflag:s13], $0x1400  }
0x75: {  	[sflag:s13] =	ssyncset.done $0x0  }
0x76: {  	[sflag:s13] =	ssyncadd.s32 $0xFFFFEC00  }
0x77: {  	[spmem:s16], [sflag:s15] =	dma.local [hbm:s10], $0x1388  }
0x78: {  	_ =	swait.ge [sflag:s13], $0x1388  }
0x79: {  	[sflag:s13] =	ssyncset.done $0x0  }
0x7a: {  	[sflag:s13] =	ssyncadd.s32 $0xFFFFEC78  }
0x7b: {  	[spmem:s17], [sflag:s15] =	dma.local [hbm:s8], $0x1400  }
0x7c: {  	_ =	swait.ge [sflag:s13], $0x1400  }
0x7d: {  	[sflag:s13] =	ssyncset.done $0x0  }
0x7e: {  	[sflag:s13] =	ssyncadd.s32 $0xFFFFEC00  }
0x7f: {  	s6 =	simm.s32 $0x0;
	[bflag:$0x0] =	sbarrier.arrive $0xFFFF  }
0x80: {  	[tilespmem:s19], [sflag:$0x1] =	stream.indirect.gather [spmem:s2], $0x40, s6, s18, $0xb8;
	[tilespmem:$0x1ED40] =	vst v63  }
0x81: {  	_ = 	snop  }
0x82: {  	[tilespmem:s20], [sflag:$0x2] =	stream.indirect.gather [spmem:s2], $0x40, s18, s18, $0xb8;
	[tilespmem:$0x1ED40] =	vst v63  }
0x83: {  	_ = 	snop  }
0x84: {  	[tilespmem:s22], [sflag:$0x3] =	stream.indirect.gather [spmem:s2], $0x40, s21, s18, $0xb8;
	[tilespmem:$0x1ED40] =	vst v63  }
0x85: {  	_ =	swait.ge [sflag:s23], $0x2000  }
0x86: {  	[sflag:s23] =	ssyncset.done $0x0  }
0x87: {  	s14 =	simm.s32 $0x2880;
	[sflag:s23] =	ssyncadd.s32 $0xFFFFE000  }
0x88: {  	[spmem:s3] =	stream.indirect.scatter.add.f32 [tilespmem:s19], [sflag:$0x4], $0x40, s14, s18, $0xb8;
	[tilespmem:$0x1ED40] =	vst v63  }
0x89: {  	_ =	swait.ge [sflag:s24], $0x2000  }
0x8a: {  	[sflag:s24] =	ssyncset.done $0x0  }
0x8b: {  	s6 =	simm.s32 $0x2900;
	[sflag:s24] =	ssyncadd.s32 $0xFFFFE000  }
0x8c: {  	[spmem:s3] =	stream.indirect.scatter.add.f32 [tilespmem:s20], [sflag:$0x5], $0x40, s6, s18, $0xb8;
	[tilespmem:$0x1ED40] =	vst v63  }
0x8d: {  	_ =	swait.ge [sflag:s25], $0x2000  }
0x8e: {  	[sflag:s25] =	ssyncset.done $0x0  }
0x8f: {  	s14 =	simm.s32 $0x2980;
	[sflag:s25] =	ssyncadd.s32 $0xFFFFE000  }
0x90: {  	[spmem:s3] =	stream.indirect.scatter.add.f32 [tilespmem:s22], [sflag:$0x6], $0x40, s14, s18, $0xb8;
	[tilespmem:$0x1ED40] =	vst v63  }
0x91: {  	_ =	swait.ge [sflag:s26], $0x2000  }
0x92: {  	[sflag:s26] =	ssyncset.done $0x0  }
0x93: {  	s6 =	simm.s32 $0x180;
	[sflag:s26] =	ssyncadd.s32 $0xFFFFE000  }
0x94: {  	[tilespmem:s19], [sflag:$0x1] =	stream.indirect.gather [spmem:s2], $0x40, s6, s18, $0xb8;
	[tilespmem:$0x1ED40] =	vst v63  }
0x95: {  	_ =	swait.ge [sflag:s28], $0x2000  }
0x96: {  	[sflag:s28] =	ssyncset.done $0x0  }
0x97: {  	s14 =	simm.s32 $0x200;
	[sflag:s28] =	ssyncadd.s32 $0xFFFFE000  }
0x98: {  	[tilespmem:s20], [sflag:$0x2] =	stream.indirect.gather [spmem:s2], $0x40, s14, s18, $0xb8;
	[tilespmem:$0x1ED40] =	vst v63  }
0x99: {  	_ =	swait.ge [sflag:s29], $0x2000  }
0x9a: {  	[sflag:s29] =	ssyncset.done $0x0  }
0x9b: {  	s5 =	simm.s32 $0x280;
	s14 =	simm.s32 $0x600;
	[sflag:s29] =	ssyncadd.s32 $0xFFFFE000  }
.LBB2_4:
0x9c: {  	[tilespmem:s22], [sflag:$0x3] =	stream.indirect.gather [spmem:s2], $0x40, s5, s18, $0xb8;
	[tilespmem:$0x1ED40] =	vst v63  }
0x9d: {  	s5 =	smov.u32 s14  }
0x9e: {  	p0 =	sne.s32 s14, $0x9600;
	s14 =	sadd.s32 $0x600, s14;
	_ =	swait.ge [sflag:s23], $0x2000  }
0x9f: {  	s5 =	sshra.s32 s5, $0x2;
	[sflag:s23] =	ssyncset.done $0x0  }
0xa0: {  	s6 =	sadd.s32 $0x2880, s5;
	[sflag:s23] =	ssyncadd.s32 $0xFFFFE000  }
0xa1: {  	[spmem:s3] =	stream.indirect.scatter.add.f32 [tilespmem:s19], [sflag:$0x4], $0x40, s6, s18, $0xb8;
	[tilespmem:$0x1ED40] =	vst v63  }
0xa2: {  	_ =	swait.ge [sflag:s24], $0x2000  }
0xa3: {  	[sflag:s24] =	ssyncset.done $0x0  }
0xa4: {  	s6 =	sadd.s32 $0x2900, s5;
	[sflag:s24] =	ssyncadd.s32 $0xFFFFE000  }
0xa5: {  	[spmem:s3] =	stream.indirect.scatter.add.f32 [tilespmem:s20], [sflag:$0x5], $0x40, s6, s18, $0xb8;
	[tilespmem:$0x1ED40] =	vst v63  }
0xa6: {  	_ =	swait.ge [sflag:s25], $0x2000  }
0xa7: {  	[sflag:s25] =	ssyncset.done $0x0  }
0xa8: {  	s6 =	sadd.s32 $0x2980, s5;
	[sflag:s25] =	ssyncadd.s32 $0xFFFFE000  }
0xa9: {  	[spmem:s3] =	stream.indirect.scatter.add.f32 [tilespmem:s22], [sflag:$0x6], $0x40, s6, s18, $0xb8;
	[tilespmem:$0x1ED40] =	vst v63  }
0xaa: {  	_ =	swait.ge [sflag:s26], $0x2000  }
0xab: {  	[sflag:s26] =	ssyncset.done $0x0  }
0xac: {  	s6 =	sadd.s32 $0x180, s5;
	[sflag:s26] =	ssyncadd.s32 $0xFFFFE000  }
0xad: {  	[tilespmem:s19], [sflag:$0x1] =	stream.indirect.gather [spmem:s2], $0x40, s6, s18, $0xb8;
	[tilespmem:$0x1ED40] =	vst v63  }
0xae: {  	_ =	swait.ge [sflag:s28], $0x2000  }
0xaf: {  	[sflag:s28] =	ssyncset.done $0x0  }
.Ltmp1:
0xb0: {  	s6 =	sadd.s32 $0x200, s5;
	[sflag:s28] =	ssyncadd.s32 $0xFFFFE000;
	(pc) =	sbr.rel @p0 .LBB2_4-.Ltmp1, $4  }
0xb1: {  	[tilespmem:s20], [sflag:$0x2] =	stream.indirect.gather [spmem:s2], $0x40, s6, s18, $0xb8;
	[tilespmem:$0x1ED40] =	vst v63  }
0xb2: {  	_ =	swait.ge [sflag:s29], $0x2000  }
0xb3: {  	[sflag:s29] =	ssyncset.done $0x0  }
0xb4: {  	s5 =	sadd.s32 $0x280, s5;
	[sflag:s29] =	ssyncadd.s32 $0xFFFFE000  }
0xb5: {  	[tilespmem:s22], [sflag:$0x3] =	stream.indirect.gather [spmem:s2], $0x40, s5, s18, $0xb8;
	[tilespmem:$0x1ED40] =	vst v63  }
0xb6: {  	_ =	swait.ge [sflag:s23], $0x2000  }
0xb7: {  	[sflag:s23] =	ssyncset.done $0x0  }
0xb8: {  	[sflag:s23] =	ssyncadd.s32 $0xFFFFE000  }
0xb9: {  	[spmem:s3] =	stream.indirect.scatter.add.f32 [tilespmem:s19], [sflag:$0x4], $0x40, s30, s18, $0xb8;
	[tilespmem:$0x1ED40] =	vst v63  }
0xba: {  	_ =	swait.ge [sflag:s24], $0x2000  }
0xbb: {  	[sflag:s24] =	ssyncset.done $0x0  }
0xbc: {  	[sflag:s24] =	ssyncadd.s32 $0xFFFFE000  }
0xbd: {  	[spmem:s3] =	stream.indirect.scatter.add.f32 [tilespmem:s20], [sflag:$0x5], $0x40, s31, s18, $0xb8;
	[tilespmem:$0x1ED40] =	vst v63  }
0xbe: {  	_ =	swait.ge [sflag:s25], $0x2000  }
0xbf: {  	[sflag:s25] =	ssyncset.done $0x0  }
0xc0: {  	[sflag:s25] =	ssyncadd.s32 $0xFFFFE000  }
0xc1: {  	[spmem:s3] =	stream.indirect.scatter.add.f32 [tilespmem:s22], [sflag:$0x6], $0x40, s1, s18, $0xb8;
	[tilespmem:$0x1ED40] =	vst v63  }
0xc2: {  	_ =	swait.ge [sflag:s26], $0x2000  }
0xc3: {  	[sflag:s26] =	ssyncset.done $0x0  }
0xc4: {  	[sflag:s26] =	ssyncadd.s32 $0xFFFFE000  }
0xc5: {  	_ =	swait.ge [sflag:s28], $0x2000  }
0xc6: {  	[sflag:s28] =	ssyncset.done $0x0  }
0xc7: {  	[sflag:s28] =	ssyncadd.s32 $0xFFFFE000  }
0xc8: {  	_ =	swait.ge [sflag:s29], $0x2000  }
0xc9: {  	s0 =	sadd.s32 $0x1, s0;
	[sflag:s29] =	ssyncset.done $0x0  }
0xca: {  	p0 =	sne.s32 s0, s12;
	[sflag:s29] =	ssyncadd.s32 $0xFFFFE000  }
.Ltmp2:
0xcb: {  	[bflag:$0x0] =	sbarrier.arrive $0xFFFF;
	(pc) =	sbr.rel @p0 .LBB2_1-.Ltmp2, $4  }
0xcc: {  	[hbm:s11], [sflag:s15] =	dma.local [spmem:s17], $0x1400  }
0xcd: {  	_ =	swait.ge [sflag:s13], $0x1400  }
0xce: {  	[sflag:s13] =	ssyncset.done $0x0  }
0xcf: {  	[sflag:s13] =	ssyncadd.s32 $0xFFFFEC00  }
0xd0: {  	_ =	sfence.sel $0x180000  }
0xd1: {  	[bflag:$0x0] =	sbarrier.arrive $0xFFFF  }
0xd2: {  	_ =	strace $0x9000004A  }
0xd3: {  	s0 =	stileid.u32;
	[bflag:$0x2] =	sbarrier.arrive $0xFFFF  }
0xd4: {  	p0 =	sne.s32 s0, $0x0;
	s0 =	rddreg [dreg:$0x4]  }
0xd5: {  	s0 =	sadd.s32 @!p0 $0x100000, s0  }
0xd6: {  	[sflag:s0] =	ssyncadd.tile.s32 @!p0 $0x1;
	_ =	shalt  }
.Lfunc_end2:
_tile_overlayer_lowered:
.L_overlay_start_2:
0xd7: {  	(tag) =	ssettag $0x2  }
0xd8: {  	s0 =	rddreg [dreg:$0x0];
	s2 =	stileid.u32  }
0xd9: {  	s1 =	rddreg [dreg:$0x1];
	p0 =	sne.s32 s2, $0x0  }
0xda: {  	s3 =	rddreg [dreg:$0x2];
	[bflag:$0x3] =	sbarrier.arrive $0xFFFF;
	s2 =	simm.s32 @!p0 $0x1C07  }
0xdb: {  	[timem:s3], [sflag:s2] =	dma.local @!p0 [hbm:s0], s1  }
0xdc: {  	s0 =	simm.s32 @!p0 $0x7  }
0xdd: {  	_ =	swait.ge @!p0 [sflag:s0], s1  }
0xde: {  	s1 =	ssub.s32 @!p0 $0x0, s1;
	[sflag:s0] =	ssyncset.done @!p0 $0x0  }
0xdf: {  	[sflag:s0] =	ssyncadd.s32 @!p0 s1  }
0xe0: {  	[bflag:$0x3] =	sbarrier.arrive $0xFFFF  }
0xe1: {  	_ =	shalt  }

// kernel: kernel.14.cloned.1.call-start
scs
__scs_entry_jumppad:
0x0: {  	(pc) =	sbr.rel $0x88, $3  }
0x1: {  	(tag) =	ssettag $0x0;
	lr =	simm.s32 $0x1  }
0x2: {  	[smem:$0x3F9B] =	sst lr;
	_ =	strace $0xD0000000  }
0x3: {  	_ = 	snop  }
0x4: {  	_ = 	snop  }
0x5: {  	_ = 	snop  }
0x6: {  	_ = 	snop  }
0x7: {  	_ = 	snop  }
__scs_overlays_trampoline_lowered:
0x8: {  	[smem:$0x3FAA] =	sst s0  }
0x9: {  	[smem:$0x3FAB] =	sst s1  }
0xa: {  	[smem:$0x3FAC] =	sst s2  }
0xb: {  	[smem:$0x3FAD] =	sst s3  }
0xc: {  	[smem:$0x3FAE] =	sst s4  }
0xd: {  	[smem:$0x3FAF] =	sst s5  }
0xe: {  	[smem:$0x3FB0] =	sst s6  }
0xf: {  	[smem:$0x3FB1] =	sst s7  }
0x10: {  	[smem:$0x3FB2] =	sst s8  }
0x11: {  	[smem:$0x3FB3] =	sst s9;
	s0 =	simm.s32 @!p0 $0x0  }
0x12: {  	s1 =	sld [smem:$0x3F99];
	s0 =	simm.s32 @p0 $0x1  }
0x13: {  	[smem:$0x3FB4] =	sst s0;
	s0 =	simm.s32 @!p1 $0x0  }
0x14: {  	s2 =	sld [smem:$0x3F98];
	s0 =	simm.s32 @p1 $0x1  }
0x15: {  	[smem:$0x3FB5] =	sst s0;
	s0 =	simm.s32 @!p2 $0x0  }
0x16: {  	s3 =	sld [smem:$0x3FDB];
	s0 =	simm.s32 @p2 $0x1  }
0x17: {  	s4 =	simm.s32 $0x1BF5;
	[smem:$0x3FB7] =	sst s0  }
0x18: {  	s0 =	sld [smem:$0x3F9A];
	_ =	swait.ge [sflag:s4], $0x0  }
0x19: {  	s7 =	sld [smem:$0x3F9B]  }
0x1a: {  	s8 =	sadd.s32 $0xFFFFE003, lr  }
0x1b: {  	s9 =	sadd.s32 $0xFFFFFEF7, lr;
	s5 =	simm.s32 $0xFFFFFFFF;
	p2 =	slt.u32 s8, $0xFFFFF086  }
0x1c: {  	p1 =	slt.u32 s9, $0xF7A;
	s5 =	simm.s32 @!p2 $0x0  }
0x1d: {  	s5 =	simm.s32 @p1 $0x1;
	p0 =	seq.s32 s7, s2  }
0x1e: {  	s7 =	smul.u32 @!p0 $0xF7A, s2;
	p2 =	seq.s32 @!p0 s5, $0x0  }
0x1f: {  	s9 =	smul.u32 $0xF7A, s1;
	s8 =	simm.s32 @!p0 $0x1BF5;
	p2 =	por !p2, p0  }
0x20: {  	[sflag:s8] =	ssyncset.s32 @!p0 $0xFFFFF086;
	s6 =	sadd.s32 @!p0 s3, s7;
	s7 =	simm.s32 @!p0 $0x108  }
0x21: {  	s3 =	sadd.s32 s3, s9;
	s6 =	sadd.s32 @!p0 $0x88, s6;
	s7 =	simm.s32 @p2 $0x1082  }
0x22: {  	[simem:s7], [sflag:s8] =	dma.local @!p0 [hbm:s6], $0xF7A  }
0x23: {  	s9 =	sor.u32 $0xD0000000, s2;
	s6 =	simm.s32 $0x108;
	_ =	swait.ge @!p0 [sflag:s8], $0x0  }
0x24: {  	s3 =	sadd.s32 $0x88, s3;
	s6 =	simm.s32 @!p1 $0x1082;
	[sflag:s4] =	ssyncset.s32 $0xFFFFF086  }
0x25: {  	[simem:s6], [sflag:s4] =	dma.local [hbm:s3], $0xF7A  }
0x26: {  	[smem:$0x3F9B] =	sst s1;
	(tag) =	ssettag s2;
	_ =	strace s9  }
0x27: {  	s1 =	sld [smem:$0x3FAB]  }
0x28: {  	s2 =	sld [smem:$0x3FAC]  }
0x29: {  	s4 =	sld [smem:$0x3FAE]  }
0x2a: {  	p0 =	seq.s32 s5, $0x0;
	s5 =	sld [smem:$0x3FAF]  }
0x2b: {  	s6 =	sld [smem:$0x3FB0]  }
0x2c: {  	s7 =	sld [smem:$0x3FB1]  }
0x2d: {  	s3 =	simm.s32 $0x108;
	s8 =	sld [smem:$0x3FB2]  }
0x2e: {  	s3 =	simm.s32 @!p0 $0x1082;
	s9 =	sld [smem:$0x3FB3]  }
0x2f: {  	lr =	sadd.s32 s0, s3;
	s0 =	sld [smem:$0x3FAA]  }
0x30: {  	s3 =	sld [smem:$0x3FAD]  }
0x31: {  	[smem:$0x3FB6] =	sst s10  }
0x32: {  	s10 =	sld [smem:$0x3FB4];
	_ =	sdelay $0x3  }
0x33: {  	p0 =	seq.s32 s10, $0x1;
	s10 =	sld [smem:$0x3FB6];
	_ =	sdelay $0x3  }
0x34: {  	[smem:$0x3FB6] =	sst s10  }
0x35: {  	s10 =	sld [smem:$0x3FB5];
	_ =	sdelay $0x3  }
0x36: {  	p1 =	seq.s32 s10, $0x1;
	s10 =	sld [smem:$0x3FB6];
	_ =	sdelay $0x3  }
0x37: {  	[smem:$0x3FB6] =	sst s10  }
0x38: {  	s10 =	sld [smem:$0x3FB7]  }
0x39: {  	_ = 	snop;
	(pc) =	sbr.ind lr, $3  }
0x3a: {  	_ = 	snop  }
0x3b: {  	_ = 	snop  }
0x3c: {  	p2 =	seq.s32 s10, $0x1;
	s10 =	sld [smem:$0x3FB6]  }
0x3d: {  	_ =	shalt  }
0x3e: {  	_ =	shalt  }
0x3f: {  	_ =	shalt  }
0x40: {  	_ =	shalt  }
0x41: {  	_ =	shalt  }
0x42: {  	_ =	shalt  }
0x43: {  	_ =	shalt  }
0x44: {  	_ =	shalt  }
0x45: {  	_ =	shalt  }
0x46: {  	_ =	shalt  }
0x47: {  	_ =	shalt  }
0x48: {  	_ =	shalt  }
0x49: {  	_ =	shalt  }
0x4a: {  	_ =	shalt  }
0x4b: {  	_ =	shalt  }
0x4c: {  	_ =	shalt  }
0x4d: {  	_ =	shalt  }
0x4e: {  	_ =	shalt  }
0x4f: {  	_ =	shalt  }
0x50: {  	_ =	shalt  }
0x51: {  	_ =	shalt  }
0x52: {  	_ =	shalt  }
0x53: {  	_ =	shalt  }
0x54: {  	_ =	shalt  }
0x55: {  	_ =	shalt  }
0x56: {  	_ =	shalt  }
0x57: {  	_ =	shalt  }
0x58: {  	_ =	shalt  }
0x59: {  	_ =	shalt  }
0x5a: {  	_ =	shalt  }
0x5b: {  	_ =	shalt  }
0x5c: {  	_ =	shalt  }
0x5d: {  	_ =	shalt  }
0x5e: {  	_ =	shalt  }
0x5f: {  	_ =	shalt  }
0x60: {  	_ =	shalt  }
0x61: {  	_ =	shalt  }
0x62: {  	_ =	shalt  }
0x63: {  	_ =	shalt  }
0x64: {  	_ =	shalt  }
0x65: {  	_ =	shalt  }
0x66: {  	_ =	shalt  }
0x67: {  	_ =	shalt  }
0x68: {  	_ =	shalt  }
0x69: {  	_ =	shalt  }
0x6a: {  	_ =	shalt  }
0x6b: {  	_ =	shalt  }
0x6c: {  	_ =	shalt  }
0x6d: {  	_ =	shalt  }
0x6e: {  	_ =	shalt  }
0x6f: {  	_ =	shalt  }
0x70: {  	_ =	shalt  }
0x71: {  	_ =	shalt  }
0x72: {  	_ =	shalt  }
0x73: {  	_ =	shalt  }
0x74: {  	_ =	shalt  }
0x75: {  	_ =	shalt  }
0x76: {  	_ =	shalt  }
0x77: {  	_ =	shalt  }
0x78: {  	_ =	shalt  }
0x79: {  	_ =	shalt  }
0x7a: {  	_ =	shalt  }
0x7b: {  	_ =	shalt  }
0x7c: {  	_ =	shalt  }
0x7d: {  	_ =	shalt  }
0x7e: {  	_ =	shalt  }
0x7f: {  	_ =	shalt  }
0x80: {  	_ =	shalt  }
0x81: {  	_ =	shalt  }
0x82: {  	_ =	shalt  }
0x83: {  	_ =	shalt  }
0x84: {  	_ =	shalt  }
0x85: {  	_ =	shalt  }
0x86: {  	_ =	shalt  }
0x87: {  	_ =	shalt  }
.Lfunc_end0:
.L_simem_size_0:
called_computation.2_lowered:
.L_overlay_start_0:
0x88: {  	s2 =	sld [smem:$0x3FD9]  }
0x89: {  	s3 =	sld [smem:$0x3FFE];
	_ =	sdelay $0x1  }
0x8a: {  	s1 =	srdreg.scid  }
0x8b: {  	s0 =	sand.u32 $0x1, s1  }
0x8c: {  	s17 =	sshll.u32 s0, $0xA;
	s2 =	sadd.s32 s3, s2  }
0x8d: {  	s2 =	sadd.s32 s2, s17  }
0x8e: {  	[smem:$0x3FC2] =	sst s2  }
0x8f: {  	_ = 	snop  }
0x90: {  	s2 =	sld [smem:$0x3FD0];
	(tm) =	ssettm $0x1  }
0x91: {  	s18 =	sld [smem:$0x3FFB];
	_ =	sdelay $0x3  }
0x92: {  	_ =	strace s18  }
0x93: {  	s3 =	sld [smem:$0x3FFC];
	_ =	sdelay $0x3  }
0x94: {  	_ =	strace s3  }
0x95: {  	s3 =	sld [smem:$0x3FFD];
	_ =	sdelay $0x3  }
0x96: {  	_ =	strace s3  }
0x97: {  	_ =	strace $0x8FFFFFFF  }
0x98: {  	s19 =	sld [smem:$0x3FDB];
	_ =	sdelay $0x1  }
0x99: {  	s4 =	simm.s32 $_scs_section_size  }
0x9a: {  	s5 =	simm.s32 $_size__tile_overlayer_lowered;
	s6 =	simm.s32 $_tile_overlayer_lowered  }
0x9b: {  	s22 =	simm.s32 $0x1BFF;
	s21 =	sshll.u32 s6, $0x1;
	s3 =	sadd.s32 s4, s19  }
0x9c: {  	s7 =	simm.s32 $0x0;
	s20 =	sshll.u32 s5, $0x1;
	s5 =	sadd.s32 s21, s3  }
0x9d: {  	[timem:s7], [sflag:s22] =	dma.local [hbm:s5], s20  }
0x9e: {  	_ =	swait.ge [sflag:s22], s20  }
0x9f: {  	s4 =	ssub.s32 $0x0, s20;
	[sflag:s22] =	ssyncset.done $0x0  }
0xa0: {  	[sflag:s22] =	ssyncadd.s32 s4;
	_ =	sdelay $0x1  }
0xa1: {  	s23 =	simm.s32 $0x1B8B  }
0xa2: {  	_ =	swait.ge [sflag:s23], $0x1  }
0xa3: {  	[sflag:s23] =	ssyncset.done $0x0  }
0xa4: {  	s25 =	simm.s32 $0x1B8E;
	s24 =	sld [smem:$0x3FFE];
	[sflag:s23] =	ssyncadd.s32 $0xFFFFFFFF  }
0xa5: {  	s26 =	simm.s32 $execute0_lowered;
	[smem:$0x3FD2] =	sst s25  }
0xa6: {  	s5 =	sshll.u32 s26, $0x1;
	_ =	strace $0x8000004C;
	[dreg:$0x1] =	wrdreg $0xFFFFFFFF  }
0xa7: {  	s28 =	simm.s32 $_size_execute0_lowered;
	s3 =	sadd.s32 s3, s5;
	[dreg:$0x0] =	wrdreg $0x0  }
0xa8: {  	s5 =	sshll.u32 s28, $0x1;
	[dreg:$0x2] =	wrdreg s3  }
0xa9: {  	[dreg:$0x3] =	wrdreg s5  }
0xaa: {  	[dreg:$0x4] =	wrdreg $0xC0  }
0xab: {  	_ =	task [dreg:s7], $0x5FFFF  }
0xac: {  	[dreg:$0x1] =	wrdreg $0xFFFFFFFF  }
0xad: {  	[dreg:$0x0] =	wrdreg $0x60  }
0xae: {  	[dreg:$0x2] =	wrdreg s24  }
0xaf: {  	[dreg:$0x3] =	wrdreg s2  }
0xb0: {  	[dreg:$0x4] =	wrdreg $0x51000  }
0xb1: {  	[dreg:$0x5] =	wrdreg $0xED400  }
0xb2: {  	[dreg:$0x6] =	wrdreg $0x9  }
0xb3: {  	_ =	task.clear_ibuf [dreg:s7], $0x7FFFF;
	_ =	strace $0x9000004C  }
0xb4: {  	s29 =	simm.s32 $0x9;
	_ =	strace $0x8000004E  }
0xb5: {  	_ =	swait.ge [sflag:s29], $0x1  }
0xb6: {  	[sflag:s29] =	ssyncadd.s32 $0xFFFFFFFF  }
0xb7: {  	_ =	strace $0x9000004E  }
0xb8: {  	_ =	sfence  }
0xb9: {  	s30 =	sld [smem:$0x0];
	_ =	sdelay $0x2  }
0xba: {  	s31 =	sshll.u32 s1, $0xD;
	s1 =	sshrl.u32 s1, $0x2  }
0xbb: {  	s3 =	sand.u32 $0x4000, s31;
	s1 =	sadd.s32 s1, s30  }
0xbc: {  	s0 =	sor.u32 s3, s0;
	s1 =	sshll.u32 s1, $0x11  }
0xbd: {  	s0 =	sor.u32 s1, s0  }
0xbe: {  	s0 =	sadd.s32 $0x8F2B, s0  }
0xbf: {  	[sflag:s0] =	ssyncadd.remote.s32 $0x1  }
0xc0: {  	_ =	sfence.sel $0xFFFF  }
0xc1: {  	[dreg:$0x0] =	wrdreg $0xFFFFFFFF;
	(pc) =	sbr.abs _section_cstart, $3  }
0xc2: {  	[dreg:$0x1] =	wrdreg $0xFFFFFFFF  }
0xc3: {  	_ =	task.clear_ibuf [dreg:s7], $0x2FFFF;
	_ =	strace $0x9FFFFFFF  }
0xc4: {  	(tm) =	ssettm $0x7FFFFFFF  }
0xc5: {  	_ =	shalt  }
tec
execute0_lowered:
.L_overlay_start_1:
0x0: {  	(tag) =	ssettag $0x1  }
0x1: {  	s0 =	rddreg [dreg:$0x0]  }
0x2: {  	s1 =	srdreg.scid;
	s7 =	rddreg [dreg:$0x1]  }
0x3: {  	s13 =	stileid.u32;
	s2 =	rddreg [dreg:$0x2];
	s16 =	simm.s32 $0x80  }
0x4: {  	s17 =	simm.s32 $0x18D40;
	s18 =	simm.s32 $0x1AD40;
	s19 =	simm.s32 $0x100  }
0x5: {  	s20 =	simm.s32 $0x1CD40;
	s21 =	simm.s32 $0x1;
	s22 =	simm.s32 $0x2  }
0x6: {  	s23 =	simm.s32 $0x3;
	s28 =	simm.s32 $0x4F80;
	s29 =	simm.s32 $0x5000  }
0x7: {  	s30 =	simm.s32 $0x5080;
	s31 =	simm.s32 $0x0;
	s8 =	smul.u32 $0xA000, s13  }
0x8: {  	s1 =	sand.u32 $0x1, s1;
	s3 =	sshll.u32 s13, $0x1;
	s11 =	smul.u32 $0x9C40, s13  }
0x9: {  	s26 =	sshll.u32 s13, $0x6;
	s4 =	sor.u32 s1, s3;
	s3 =	rddreg [dreg:$0x3]  }
0xa: {  	s6 =	smul.u32 $0xA0000, s1;
	s1 =	ssub.s32 $0x2, s1;
	s13 =	sor.u32 $0x1C07, s26  }
0xb: {  	s26 =	simm.s32 $0x6;
	s5 =	smul.u32 $0x510, s4;
	s4 =	simm.s32 $0x0  }
0xc: {  	s24 =	sshrl.u32 s8, $0x3;
	s10 =	sshrl.u32 s1, $0x1;
	s25 =	sshrl.u32 s11, $0x3  }
0xd: {  	s14 =	sadd.s32 s11, s2;
	s15 =	sadd.s32 s8, s3;
	s11 =	simm.s32 $0x7  }
0xe: {  	[smem:$0x7FF] =	sst s4;
	s6 =	sadd.s32 s8, s6;
	s12 =	sadd.s32 s24, s0  }
0xf: {  	s1 =	ssub.s32 s1, s10;
	s7 =	sadd.s32 s7, s25;
	s14 =	sshrl.u32 s14, $0x3  }
0x10: {  	s15 =	sshrl.u32 s15, $0x3;
	s24 =	simm.s32 $0x4;
	s25 =	simm.s32 $0x5  }
0x11: {  	_ =	strace $0x8000004D;
	s9 =	sadd.s32 s5, s0;
	s6 =	sshrl.u32 s6, $0x3  }
0x12: {  	s8 =	sadd.s32 $0x78A00, s12;
	s10 =	smax.u32 s1, $0x1;
	s0 =	sadd.s32 s6, s0  }
0x13: {  	s5 =	sadd.s32 $0xCA00, s9;
	s6 =	sadd.s32 $0x2800, s9;
	s9 =	sadd.s32 $0x3DE00, s0  }
.LBB2_1:
0x14: {  	[tilespmem:s4], [sflag:$0x7] =	stream.linear.gather [hbm4b:s5+s4], $0x2880, $0x38;
	[tilespmem:$0x1ED40] =	vst v63  }
0x15: {  	_ =	swait.ge [sflag:s11], $0x2880  }
0x16: {  	[sflag:s11] =	ssyncset.done $0x0  }
0x17: {  	s0 =	simm.s32 $0x2880;
	[sflag:s11] =	ssyncadd.s32 $0xFFFFD780  }
0x18: {  	[tilespmem:s0], [sflag:$0x7] =	stream.linear.gather [hbm4b:s6+s4], $0x2880, $0x38;
	[tilespmem:$0x1ED40] =	vst v63  }
0x19: {  	_ =	swait.ge [sflag:s11], $0x2880  }
0x1a: {  	[sflag:s11] =	ssyncset.done $0x0  }
0x1b: {  	[sflag:s11] =	ssyncadd.s32 $0xFFFFD780  }
0x1c: {  	[spmem:s14], [sflag:s13] =	dma.local [hbm:s7], $0x1388  }
0x1d: {  	_ =	swait.ge [sflag:s11], $0x1388  }
0x1e: {  	[sflag:s11] =	ssyncset.done $0x0  }
0x1f: {  	[sflag:s11] =	ssyncadd.s32 $0xFFFFEC78  }
0x20: {  	[spmem:s15], [sflag:s13] =	dma.local [hbm:s8], $0x1400  }
0x21: {  	_ =	swait.ge [sflag:s11], $0x1400  }
0x22: {  	[sflag:s11] =	ssyncset.done $0x0  }
0x23: {  	[sflag:s11] =	ssyncadd.s32 $0xFFFFEC00  }
0x24: {  	[bflag:$0x0] =	sbarrier.arrive $0xFFFF  }
0x25: {  	[tilespmem:s17], [sflag:$0x1] =	stream.indirect.gather [spmem:s2], $0x40, s4, s16, $0xb8;
	[tilespmem:$0x1ED40] =	vst v63  }
0x26: {  	_ = 	snop  }
0x27: {  	[tilespmem:s18], [sflag:$0x2] =	stream.indirect.gather [spmem:s2], $0x40, s16, s16, $0xb8;
	[tilespmem:$0x1ED40] =	vst v63  }
0x28: {  	_ = 	snop  }
0x29: {  	[tilespmem:s20], [sflag:$0x3] =	stream.indirect.gather [spmem:s2], $0x40, s19, s16, $0xb8;
	[tilespmem:$0x1ED40] =	vst v63  }
0x2a: {  	_ =	swait.ge [sflag:s21], $0x2000  }
0x2b: {  	[sflag:s21] =	ssyncset.done $0x0  }
0x2c: {  	s12 =	simm.s32 $0x2880;
	[sflag:s21] =	ssyncadd.s32 $0xFFFFE000  }
0x2d: {  	[spmem:s3] =	stream.indirect.scatter.add.f32 [tilespmem:s17], [sflag:$0x4], $0x40, s12, s16, $0xb8;
	[tilespmem:$0x1ED40] =	vst v63  }
0x2e: {  	_ =	swait.ge [sflag:s22], $0x2000  }
0x2f: {  	[sflag:s22] =	ssyncset.done $0x0  }
0x30: {  	s1 =	simm.s32 $0x2900;
	[sflag:s22] =	ssyncadd.s32 $0xFFFFE000  }
0x31: {  	[spmem:s3] =	stream.indirect.scatter.add.f32 [tilespmem:s18], [sflag:$0x5], $0x40, s1, s16, $0xb8;
	[tilespmem:$0x1ED40] =	vst v63  }
0x32: {  	_ =	swait.ge [sflag:s23], $0x2000  }
0x33: {  	[sflag:s23] =	ssyncset.done $0x0  }
0x34: {  	s12 =	simm.s32 $0x2980;
	[sflag:s23] =	ssyncadd.s32 $0xFFFFE000  }
0x35: {  	[spmem:s3] =	stream.indirect.scatter.add.f32 [tilespmem:s20], [sflag:$0x6], $0x40, s12, s16, $0xb8;
	[tilespmem:$0x1ED40] =	vst v63  }
0x36: {  	_ =	swait.ge [sflag:s24], $0x2000  }
0x37: {  	[sflag:s24] =	ssyncset.done $0x0  }
0x38: {  	s1 =	simm.s32 $0x180;
	[sflag:s24] =	ssyncadd.s32 $0xFFFFE000  }
0x39: {  	[tilespmem:s17], [sflag:$0x1] =	stream.indirect.gather [spmem:s2], $0x40, s1, s16, $0xb8;
	[tilespmem:$0x1ED40] =	vst v63  }
0x3a: {  	_ =	swait.ge [sflag:s25], $0x2000  }
0x3b: {  	[sflag:s25] =	ssyncset.done $0x0  }
0x3c: {  	s12 =	simm.s32 $0x200;
	[sflag:s25] =	ssyncadd.s32 $0xFFFFE000  }
0x3d: {  	[tilespmem:s18], [sflag:$0x2] =	stream.indirect.gather [spmem:s2], $0x40, s12, s16, $0xb8;
	[tilespmem:$0x1ED40] =	vst v63  }
0x3e: {  	_ =	swait.ge [sflag:s26], $0x2000  }
0x3f: {  	[sflag:s26] =	ssyncset.done $0x0  }
0x40: {  	s0 =	simm.s32 $0x280;
	s1 =	simm.s32 $0x600;
	[sflag:s26] =	ssyncadd.s32 $0xFFFFE000  }
.LBB2_2:
0x41: {  	[tilespmem:s20], [sflag:$0x3] =	stream.indirect.gather [spmem:s2], $0x40, s0, s16, $0xb8;
	[tilespmem:$0x1ED40] =	vst v63  }
0x42: {  	s0 =	smov.u32 s1  }
0x43: {  	p0 =	sne.s32 s1, $0x9600;
	s1 =	sadd.s32 $0x600, s1;
	_ =	swait.ge [sflag:s21], $0x2000  }
0x44: {  	s0 =	sshra.s32 s0, $0x2;
	[sflag:s21] =	ssyncset.done $0x0  }
0x45: {  	s12 =	sadd.s32 $0x2880, s0;
	[sflag:s21] =	ssyncadd.s32 $0xFFFFE000  }
0x46: {  	[spmem:s3] =	stream.indirect.scatter.add.f32 [tilespmem:s17], [sflag:$0x4], $0x40, s12, s16, $0xb8;
	[tilespmem:$0x1ED40] =	vst v63  }
0x47: {  	_ =	swait.ge [sflag:s22], $0x2000  }
0x48: {  	[sflag:s22] =	ssyncset.done $0x0  }
0x49: {  	s12 =	sadd.s32 $0x2900, s0;
	[sflag:s22] =	ssyncadd.s32 $0xFFFFE000  }
0x4a: {  	[spmem:s3] =	stream.indirect.scatter.add.f32 [tilespmem:s18], [sflag:$0x5], $0x40, s12, s16, $0xb8;
	[tilespmem:$0x1ED40] =	vst v63  }
0x4b: {  	_ =	swait.ge [sflag:s23], $0x2000  }
0x4c: {  	[sflag:s23] =	ssyncset.done $0x0  }
0x4d: {  	s12 =	sadd.s32 $0x2980, s0;
	[sflag:s23] =	ssyncadd.s32 $0xFFFFE000  }
0x4e: {  	[spmem:s3] =	stream.indirect.scatter.add.f32 [tilespmem:s20], [sflag:$0x6], $0x40, s12, s16, $0xb8;
	[tilespmem:$0x1ED40] =	vst v63  }
0x4f: {  	_ =	swait.ge [sflag:s24], $0x2000  }
0x50: {  	[sflag:s24] =	ssyncset.done $0x0  }
0x51: {  	s12 =	sadd.s32 $0x180, s0;
	[sflag:s24] =	ssyncadd.s32 $0xFFFFE000  }
0x52: {  	[tilespmem:s17], [sflag:$0x1] =	stream.indirect.gather [spmem:s2], $0x40, s12, s16, $0xb8;
	[tilespmem:$0x1ED40] =	vst v63  }
0x53: {  	_ =	swait.ge [sflag:s25], $0x2000  }
0x54: {  	[sflag:s25] =	ssyncset.done $0x0  }
.Ltmp0:
0x55: {  	s12 =	sadd.s32 $0x200, s0;
	[sflag:s25] =	ssyncadd.s32 $0xFFFFE000;
	(pc) =	sbr.rel @p0 .LBB2_2-.Ltmp0, $4  }
0x56: {  	[tilespmem:s18], [sflag:$0x2] =	stream.indirect.gather [spmem:s2], $0x40, s12, s16, $0xb8;
	[tilespmem:$0x1ED40] =	vst v63  }
0x57: {  	_ =	swait.ge [sflag:s26], $0x2000  }
0x58: {  	[sflag:s26] =	ssyncset.done $0x0  }
0x59: {  	s0 =	sadd.s32 $0x280, s0;
	[sflag:s26] =	ssyncadd.s32 $0xFFFFE000  }
0x5a: {  	[tilespmem:s20], [sflag:$0x3] =	stream.indirect.gather [spmem:s2], $0x40, s0, s16, $0xb8;
	[tilespmem:$0x1ED40] =	vst v63  }
0x5b: {  	_ =	swait.ge [sflag:s21], $0x2000  }
0x5c: {  	[sflag:s21] =	ssyncset.done $0x0  }
0x5d: {  	[sflag:s21] =	ssyncadd.s32 $0xFFFFE000  }
0x5e: {  	[spmem:s3] =	stream.indirect.scatter.add.f32 [tilespmem:s17], [sflag:$0x4], $0x40, s28, s16, $0xb8;
	[tilespmem:$0x1ED40] =	vst v63  }
0x5f: {  	_ =	swait.ge [sflag:s22], $0x2000  }
0x60: {  	[sflag:s22] =	ssyncset.done $0x0  }
0x61: {  	[sflag:s22] =	ssyncadd.s32 $0xFFFFE000  }
0x62: {  	[spmem:s3] =	stream.indirect.scatter.add.f32 [tilespmem:s18], [sflag:$0x5], $0x40, s29, s16, $0xb8;
	[tilespmem:$0x1ED40] =	vst v63  }
0x63: {  	_ =	swait.ge [sflag:s23], $0x2000  }
0x64: {  	[sflag:s23] =	ssyncset.done $0x0  }
0x65: {  	[sflag:s23] =	ssyncadd.s32 $0xFFFFE000  }
0x66: {  	[spmem:s3] =	stream.indirect.scatter.add.f32 [tilespmem:s20], [sflag:$0x6], $0x40, s30, s16, $0xb8;
	[tilespmem:$0x1ED40] =	vst v63  }
0x67: {  	_ =	swait.ge [sflag:s24], $0x2000  }
0x68: {  	[sflag:s24] =	ssyncset.done $0x0  }
0x69: {  	[sflag:s24] =	ssyncadd.s32 $0xFFFFE000  }
0x6a: {  	_ =	swait.ge [sflag:s25], $0x2000  }
0x6b: {  	[sflag:s25] =	ssyncset.done $0x0  }
0x6c: {  	[sflag:s25] =	ssyncadd.s32 $0xFFFFE000  }
0x6d: {  	_ =	swait.ge [sflag:s26], $0x2000  }
0x6e: {  	s31 =	sadd.s32 $0x1, s31;
	[sflag:s26] =	ssyncset.done $0x0  }
0x6f: {  	p0 =	sne.s32 s31, s10;
	[sflag:s26] =	ssyncadd.s32 $0xFFFFE000  }
.Ltmp1:
0x70: {  	[bflag:$0x0] =	sbarrier.arrive $0xFFFF;
	(pc) =	sbr.rel @p0 .LBB2_1-.Ltmp1, $4  }
0x71: {  	[hbm:s9], [sflag:s13] =	dma.local [spmem:s15], $0x1400  }
0x72: {  	_ =	swait.ge [sflag:s11], $0x1400  }
0x73: {  	[sflag:s11] =	ssyncset.done $0x0  }
0x74: {  	[sflag:s11] =	ssyncadd.s32 $0xFFFFEC00  }
0x75: {  	_ =	sfence.sel $0x180000  }
0x76: {  	[bflag:$0x0] =	sbarrier.arrive $0xFFFF  }
0x77: {  	_ =	strace $0x9000004D  }
0x78: {  	s0 =	stileid.u32;
	[bflag:$0x2] =	sbarrier.arrive $0xFFFF  }
0x79: {  	p0 =	sne.s32 s0, $0x0;
	s0 =	rddreg [dreg:$0x4]  }
0x7a: {  	s0 =	sadd.s32 @!p0 $0x100000, s0  }
0x7b: {  	[sflag:s0] =	ssyncadd.tile.s32 @!p0 $0x1;
	_ =	shalt  }
.Lfunc_end2:
_tile_overlayer_lowered:
.L_overlay_start_2:
0x7c: {  	(tag) =	ssettag $0x2  }
0x7d: {  	s0 =	rddreg [dreg:$0x0];
	s2 =	stileid.u32  }
0x7e: {  	s1 =	rddreg [dreg:$0x1];
	p0 =	sne.s32 s2, $0x0  }
0x7f: {  	s3 =	rddreg [dreg:$0x2];
	[bflag:$0x3] =	sbarrier.arrive $0xFFFF;
	s2 =	simm.s32 @!p0 $0x1C07  }
0x80: {  	[timem:s3], [sflag:s2] =	dma.local @!p0 [hbm:s0], s1  }
0x81: {  	s0 =	simm.s32 @!p0 $0x7  }
0x82: {  	_ =	swait.ge @!p0 [sflag:s0], s1  }
0x83: {  	s1 =	ssub.s32 @!p0 $0x0, s1;
	[sflag:s0] =	ssyncset.done @!p0 $0x0  }
0x84: {  	[sflag:s0] =	ssyncadd.s32 @!p0 s1  }
0x85: {  	[bflag:$0x3] =	sbarrier.arrive $0xFFFF  }
0x86: {  	_ =	shalt  }

// kernel: kernel.8.cloned.1.call-start
scs
__scs_entry_jumppad:
0x0: {  	(pc) =	sbr.rel $0x88, $3  }
0x1: {  	(tag) =	ssettag $0x0;
	lr =	simm.s32 $0x1  }
0x2: {  	[smem:$0x3F9B] =	sst lr;
	_ =	strace $0xD0000000  }
0x3: {  	_ = 	snop  }
0x4: {  	_ = 	snop  }
0x5: {  	_ = 	snop  }
0x6: {  	_ = 	snop  }
0x7: {  	_ = 	snop  }
__scs_overlays_trampoline_lowered:
0x8: {  	[smem:$0x3FAA] =	sst s0  }
0x9: {  	[smem:$0x3FAB] =	sst s1  }
0xa: {  	[smem:$0x3FAC] =	sst s2  }
0xb: {  	[smem:$0x3FAD] =	sst s3  }
0xc: {  	[smem:$0x3FAE] =	sst s4  }
0xd: {  	[smem:$0x3FAF] =	sst s5  }
0xe: {  	[smem:$0x3FB0] =	sst s6  }
0xf: {  	[smem:$0x3FB1] =	sst s7  }
0x10: {  	[smem:$0x3FB2] =	sst s8  }
0x11: {  	[smem:$0x3FB3] =	sst s9;
	s0 =	simm.s32 @!p0 $0x0  }
0x12: {  	s1 =	sld [smem:$0x3F99];
	s0 =	simm.s32 @p0 $0x1  }
0x13: {  	[smem:$0x3FB4] =	sst s0;
	s0 =	simm.s32 @!p1 $0x0  }
0x14: {  	s2 =	sld [smem:$0x3F98];
	s0 =	simm.s32 @p1 $0x1  }
0x15: {  	[smem:$0x3FB5] =	sst s0;
	s0 =	simm.s32 @!p2 $0x0  }
0x16: {  	s3 =	sld [smem:$0x3FDB];
	s0 =	simm.s32 @p2 $0x1  }
0x17: {  	s4 =	simm.s32 $0x1BF5;
	[smem:$0x3FB7] =	sst s0  }
0x18: {  	s0 =	sld [smem:$0x3F9A];
	_ =	swait.ge [sflag:s4], $0x0  }
0x19: {  	s7 =	sld [smem:$0x3F9B]  }
0x1a: {  	s8 =	sadd.s32 $0xFFFFE003, lr  }
0x1b: {  	s9 =	sadd.s32 $0xFFFFFEF7, lr;
	s5 =	simm.s32 $0xFFFFFFFF;
	p2 =	slt.u32 s8, $0xFFFFF086  }
0x1c: {  	p1 =	slt.u32 s9, $0xF7A;
	s5 =	simm.s32 @!p2 $0x0  }
0x1d: {  	s5 =	simm.s32 @p1 $0x1;
	p0 =	seq.s32 s7, s2  }
0x1e: {  	s7 =	smul.u32 @!p0 $0xF7A, s2;
	p2 =	seq.s32 @!p0 s5, $0x0  }
0x1f: {  	s9 =	smul.u32 $0xF7A, s1;
	s8 =	simm.s32 @!p0 $0x1BF5;
	p2 =	por !p2, p0  }
0x20: {  	[sflag:s8] =	ssyncset.s32 @!p0 $0xFFFFF086;
	s6 =	sadd.s32 @!p0 s3, s7;
	s7 =	simm.s32 @!p0 $0x108  }
0x21: {  	s3 =	sadd.s32 s3, s9;
	s6 =	sadd.s32 @!p0 $0x88, s6;
	s7 =	simm.s32 @p2 $0x1082  }
0x22: {  	[simem:s7], [sflag:s8] =	dma.local @!p0 [hbm:s6], $0xF7A  }
0x23: {  	s9 =	sor.u32 $0xD0000000, s2;
	s6 =	simm.s32 $0x108;
	_ =	swait.ge @!p0 [sflag:s8], $0x0  }
0x24: {  	s3 =	sadd.s32 $0x88, s3;
	s6 =	simm.s32 @!p1 $0x1082;
	[sflag:s4] =	ssyncset.s32 $0xFFFFF086  }
0x25: {  	[simem:s6], [sflag:s4] =	dma.local [hbm:s3], $0xF7A  }
0x26: {  	[smem:$0x3F9B] =	sst s1;
	(tag) =	ssettag s2;
	_ =	strace s9  }
0x27: {  	s1 =	sld [smem:$0x3FAB]  }
0x28: {  	s2 =	sld [smem:$0x3FAC]  }
0x29: {  	s4 =	sld [smem:$0x3FAE]  }
0x2a: {  	p0 =	seq.s32 s5, $0x0;
	s5 =	sld [smem:$0x3FAF]  }
0x2b: {  	s6 =	sld [smem:$0x3FB0]  }
0x2c: {  	s7 =	sld [smem:$0x3FB1]  }
0x2d: {  	s3 =	simm.s32 $0x108;
	s8 =	sld [smem:$0x3FB2]  }
0x2e: {  	s3 =	simm.s32 @!p0 $0x1082;
	s9 =	sld [smem:$0x3FB3]  }
0x2f: {  	lr =	sadd.s32 s0, s3;
	s0 =	sld [smem:$0x3FAA]  }
0x30: {  	s3 =	sld [smem:$0x3FAD]  }
0x31: {  	[smem:$0x3FB6] =	sst s10  }
0x32: {  	s10 =	sld [smem:$0x3FB4];
	_ =	sdelay $0x3  }
0x33: {  	p0 =	seq.s32 s10, $0x1;
	s10 =	sld [smem:$0x3FB6];
	_ =	sdelay $0x3  }
0x34: {  	[smem:$0x3FB6] =	sst s10  }
0x35: {  	s10 =	sld [smem:$0x3FB5];
	_ =	sdelay $0x3  }
0x36: {  	p1 =	seq.s32 s10, $0x1;
	s10 =	sld [smem:$0x3FB6];
	_ =	sdelay $0x3  }
0x37: {  	[smem:$0x3FB6] =	sst s10  }
0x38: {  	s10 =	sld [smem:$0x3FB7]  }
0x39: {  	_ = 	snop;
	(pc) =	sbr.ind lr, $3  }
0x3a: {  	_ = 	snop  }
0x3b: {  	_ = 	snop  }
0x3c: {  	p2 =	seq.s32 s10, $0x1;
	s10 =	sld [smem:$0x3FB6]  }
0x3d: {  	_ =	shalt  }
0x3e: {  	_ =	shalt  }
0x3f: {  	_ =	shalt  }
0x40: {  	_ =	shalt  }
0x41: {  	_ =	shalt  }
0x42: {  	_ =	shalt  }
0x43: {  	_ =	shalt  }
0x44: {  	_ =	shalt  }
0x45: {  	_ =	shalt  }
0x46: {  	_ =	shalt  }
0x47: {  	_ =	shalt  }
0x48: {  	_ =	shalt  }
0x49: {  	_ =	shalt  }
0x4a: {  	_ =	shalt  }
0x4b: {  	_ =	shalt  }
0x4c: {  	_ =	shalt  }
0x4d: {  	_ =	shalt  }
0x4e: {  	_ =	shalt  }
0x4f: {  	_ =	shalt  }
0x50: {  	_ =	shalt  }
0x51: {  	_ =	shalt  }
0x52: {  	_ =	shalt  }
0x53: {  	_ =	shalt  }
0x54: {  	_ =	shalt  }
0x55: {  	_ =	shalt  }
0x56: {  	_ =	shalt  }
0x57: {  	_ =	shalt  }
0x58: {  	_ =	shalt  }
0x59: {  	_ =	shalt  }
0x5a: {  	_ =	shalt  }
0x5b: {  	_ =	shalt  }
0x5c: {  	_ =	shalt  }
0x5d: {  	_ =	shalt  }
0x5e: {  	_ =	shalt  }
0x5f: {  	_ =	shalt  }
0x60: {  	_ =	shalt  }
0x61: {  	_ =	shalt  }
0x62: {  	_ =	shalt  }
0x63: {  	_ =	shalt  }
0x64: {  	_ =	shalt  }
0x65: {  	_ =	shalt  }
0x66: {  	_ =	shalt  }
0x67: {  	_ =	shalt  }
0x68: {  	_ =	shalt  }
0x69: {  	_ =	shalt  }
0x6a: {  	_ =	shalt  }
0x6b: {  	_ =	shalt  }
0x6c: {  	_ =	shalt  }
0x6d: {  	_ =	shalt  }
0x6e: {  	_ =	shalt  }
0x6f: {  	_ =	shalt  }
0x70: {  	_ =	shalt  }
0x71: {  	_ =	shalt  }
0x72: {  	_ =	shalt  }
0x73: {  	_ =	shalt  }
0x74: {  	_ =	shalt  }
0x75: {  	_ =	shalt  }
0x76: {  	_ =	shalt  }
0x77: {  	_ =	shalt  }
0x78: {  	_ =	shalt  }
0x79: {  	_ =	shalt  }
0x7a: {  	_ =	shalt  }
0x7b: {  	_ =	shalt  }
0x7c: {  	_ =	shalt  }
0x7d: {  	_ =	shalt  }
0x7e: {  	_ =	shalt  }
0x7f: {  	_ =	shalt  }
0x80: {  	_ =	shalt  }
0x81: {  	_ =	shalt  }
0x82: {  	_ =	shalt  }
0x83: {  	_ =	shalt  }
0x84: {  	_ =	shalt  }
0x85: {  	_ =	shalt  }
0x86: {  	_ =	shalt  }
0x87: {  	_ =	shalt  }
.Lfunc_end0:
.L_simem_size_0:
called_computation_lowered:
.L_overlay_start_0:
0x88: {  	s2 =	sld [smem:$0x3FD9]  }
0x89: {  	s3 =	sld [smem:$0x3FFE];
	_ =	sdelay $0x1  }
0x8a: {  	s1 =	srdreg.scid  }
0x8b: {  	s0 =	sand.u32 $0x1, s1  }
0x8c: {  	s17 =	sshll.u32 s0, $0xA;
	s2 =	sadd.s32 s3, s2  }
0x8d: {  	s2 =	sadd.s32 s2, s17  }
0x8e: {  	[smem:$0x3FC2] =	sst s2  }
0x8f: {  	_ = 	snop  }
0x90: {  	s2 =	sld [smem:$0x3FD0];
	(tm) =	ssettm $0x1  }
0x91: {  	s18 =	sld [smem:$0x3FFB];
	_ =	sdelay $0x3  }
0x92: {  	_ =	strace s18  }
0x93: {  	s3 =	sld [smem:$0x3FFC];
	_ =	sdelay $0x3  }
0x94: {  	_ =	strace s3  }
0x95: {  	s3 =	sld [smem:$0x3FFD];
	_ =	sdelay $0x3  }
0x96: {  	_ =	strace s3  }
0x97: {  	_ =	strace $0x8FFFFFFF  }
0x98: {  	s19 =	sld [smem:$0x3FDB];
	_ =	sdelay $0x1  }
0x99: {  	s4 =	simm.s32 $_scs_section_size  }
0x9a: {  	s5 =	simm.s32 $_size__tile_overlayer_lowered;
	s6 =	simm.s32 $_tile_overlayer_lowered  }
0x9b: {  	s22 =	simm.s32 $0x1BFF;
	s21 =	sshll.u32 s6, $0x1;
	s3 =	sadd.s32 s4, s19  }
0x9c: {  	s7 =	simm.s32 $0x0;
	s20 =	sshll.u32 s5, $0x1;
	s5 =	sadd.s32 s21, s3  }
0x9d: {  	[timem:s7], [sflag:s22] =	dma.local [hbm:s5], s20  }
0x9e: {  	_ =	swait.ge [sflag:s22], s20  }
0x9f: {  	s4 =	ssub.s32 $0x0, s20;
	[sflag:s22] =	ssyncset.done $0x0  }
0xa0: {  	[sflag:s22] =	ssyncadd.s32 s4;
	_ =	sdelay $0x1  }
0xa1: {  	s23 =	simm.s32 $0x1B8B  }
0xa2: {  	_ =	swait.ge [sflag:s23], $0x1  }
0xa3: {  	[sflag:s23] =	ssyncset.done $0x0  }
0xa4: {  	s25 =	simm.s32 $0x1B8E;
	s24 =	sld [smem:$0x3FFE];
	[sflag:s23] =	ssyncadd.s32 $0xFFFFFFFF  }
0xa5: {  	s26 =	simm.s32 $execute0_lowered;
	[smem:$0x3FD2] =	sst s25  }
0xa6: {  	s5 =	sshll.u32 s26, $0x1;
	_ =	strace $0x80000046;
	[dreg:$0x1] =	wrdreg $0xFFFFFFFF  }
0xa7: {  	s28 =	simm.s32 $_size_execute0_lowered;
	s3 =	sadd.s32 s3, s5;
	[dreg:$0x0] =	wrdreg $0x0  }
0xa8: {  	s5 =	sshll.u32 s28, $0x1;
	[dreg:$0x2] =	wrdreg s3  }
0xa9: {  	[dreg:$0x3] =	wrdreg s5  }
0xaa: {  	[dreg:$0x4] =	wrdreg $0xC0  }
0xab: {  	_ =	task [dreg:s7], $0x5FFFF  }
0xac: {  	[dreg:$0x1] =	wrdreg $0xFFFFFFFF  }
0xad: {  	[dreg:$0x0] =	wrdreg $0x60  }
0xae: {  	[dreg:$0x2] =	wrdreg s2  }
0xaf: {  	[dreg:$0x3] =	wrdreg s24  }
0xb0: {  	[dreg:$0x4] =	wrdreg $0x2C800  }
0xb1: {  	[dreg:$0x5] =	wrdreg $0x9  }
0xb2: {  	_ =	task.clear_ibuf [dreg:s7], $0x6FFFF;
	_ =	strace $0x90000046  }
0xb3: {  	s29 =	simm.s32 $0x9;
	_ =	strace $0x80000048  }
0xb4: {  	_ =	swait.ge [sflag:s29], $0x1  }
0xb5: {  	[sflag:s29] =	ssyncadd.s32 $0xFFFFFFFF  }
0xb6: {  	_ =	strace $0x90000048  }
0xb7: {  	_ =	sfence  }
0xb8: {  	s30 =	sld [smem:$0x0];
	_ =	sdelay $0x2  }
0xb9: {  	s31 =	sshll.u32 s1, $0xD;
	s1 =	sshrl.u32 s1, $0x2  }
0xba: {  	s3 =	sand.u32 $0x4000, s31;
	s1 =	sadd.s32 s1, s30  }
0xbb: {  	s0 =	sor.u32 s3, s0;
	s1 =	sshll.u32 s1, $0x11  }
0xbc: {  	s0 =	sor.u32 s1, s0  }
0xbd: {  	s0 =	sadd.s32 $0x8F2B, s0  }
0xbe: {  	[sflag:s0] =	ssyncadd.remote.s32 $0x1  }
0xbf: {  	_ =	sfence.sel $0xFFFF  }
0xc0: {  	[dreg:$0x0] =	wrdreg $0xFFFFFFFF;
	(pc) =	sbr.abs _section_cstart, $3  }
0xc1: {  	[dreg:$0x1] =	wrdreg $0xFFFFFFFF  }
0xc2: {  	_ =	task.clear_ibuf [dreg:s7], $0x2FFFF;
	_ =	strace $0x9FFFFFFF  }
0xc3: {  	(tm) =	ssettm $0x7FFFFFFF  }
tec
execute0_lowered:
.L_overlay_start_1:
0x0: {  	(tag) =	ssettag $0x1  }
0x1: {  	s4 =	rddreg [dreg:$0x0]  }
0x2: {  	s5 =	rddreg [dreg:$0x1]  }
0x3: {  	s2 =	rddreg [dreg:$0x2]  }
0x4: {  	s0 =	rddreg [dreg:$0x3];
	s1 =	stileid.u32  }
0x5: {  	s3 =	simm.s32 $0x0;
	s7 =	srdreg.scid;
	s12 =	simm.s32 $0x2C00  }
0x6: {  	s13 =	simm.s32 $0x20;
	s14 =	simm.s32 $0x10;
	s15 =	simm.s32 $0x0  }
0x7: {  	s6 =	smul.u32 $0x280, s1;
	[smem:$0x7FF] =	sst s3;
	s7 =	sand.u32 $0x1, s7  }
0x8: {  	s8 =	smul.u32 $0x500, s1;
	s10 =	sshll.u32 s1, $0x1;
	s31 =	sshll.u32 s1, $0x6  }
0x9: {  	_ =	strace $0x80000047;
	s9 =	sshll.u32 s7, $0x7;
	s26 =	sor.u32 s7, s10  }
0xa: {  	s7 =	ssub.s32 $0x2, s7;
	s11 =	sshrl.u32 s6, $0x3;
	s8 =	sor.u32 s9, s8  }
0xb: {  	s9 =	smul.u32 $0x580, s26;
	s29 =	sshrl.u32 s7, $0x1;
	s30 =	sadd.s32 s6, s2  }
0xc: {  	s8 =	sshrl.u32 s8, $0x3;
	s28 =	sadd.s32 s11, s5;
	s7 =	ssub.s32 s7, s29  }
0xd: {  	s10 =	sshrl.u32 s30, $0x3;
	s11 =	simm.s32 $0x80;
	s8 =	sadd.s32 s8, s5  }
0xe: {  	s4 =	sadd.s32 s4, s9;
	s5 =	sadd.s32 $0x1800, s28;
	s7 =	smax.u32 s7, $0x1  }
0xf: {  	v0 =	vimm.f32 $1.000000000e+00;
	s9 =	sor.u32 $0x1C01, s31;
	s6 =	sadd.s32 $0x1E00, s8;
	s8 =	simm.s32 $0x1  }
.LBB2_1:
0x10: {  	[tilespmem:s3], [sflag:$0x1] =	stream.linear.gather [hbm4b:s4+s3], $0x2880, $0x38;
	[tilespmem:$0x2F00] =	vst v63  }
0x11: {  	_ =	swait.ge [sflag:s8], $0x2880  }
0x12: {  	[sflag:s8] =	ssyncset.done $0x0  }
0x13: {  	[sflag:s8] =	ssyncadd.s32 $0xFFFFD780  }
0x14: {  	[tilespmem:$0x2C00] =	vst v0  }
0x15: {  	[tilespmem:$0x2C10] =	vst v0  }
0x16: {  	[tilespmem:$0x2C20] =	vst v0  }
0x17: {  	[tilespmem:$0x2C30] =	vst v0  }
0x18: {  	[tilespmem:$0x2C40] =	vst v0  }
0x19: {  	[tilespmem:$0x2C50] =	vst v0  }
0x1a: {  	[tilespmem:$0x2C60] =	vst v0  }
0x1b: {  	[tilespmem:$0x2C70] =	vst v0  }
0x1c: {  	[spmem:s10], [sflag:s9] =	dma.local [hbm:s5], $0x50  }
0x1d: {  	_ =	swait.ge [sflag:s8], $0x50  }
0x1e: {  	[sflag:s8] =	ssyncset.done $0x0  }
0x1f: {  	[sflag:s8] =	ssyncadd.s32 $0xFFFFFFB0  }
0x20: {  	s16 =	simm.s32 $0x0;
	[bflag:$0x0] =	sbarrier.arrive $0xFFFF  }
0x21: {  	[spmem:s2] =	stream.indirect.scatter.add.f32 [tilespmem:s12], [sflag:$0x1], $0x1, s16, s11, $0xb8;
	[tilespmem:$0x2F00] =	vst v63  }
0x22: {  	_ =	swait.ge [sflag:s8], $0x80  }
0x23: {  	s16 =	simm.s32 $0x200;
	[sflag:s8] =	ssyncset.done $0x0  }
.LBB2_2:
0x24: {  	s17 =	sshra.s32 s16, $0x2;
	[sflag:s8] =	ssyncadd.s32 $0xFFFFFF80;
	p0 =	sne.s32 s16, $0xA000  }
0x25: {  	[spmem:s2] =	stream.indirect.scatter.add.f32 [tilespmem:s12], [sflag:$0x1], $0x1, s17, s11, $0xb8;
	[tilespmem:$0x2F00] =	vst v63  }
.Ltmp0:
0x26: {  	_ = 	snop;
	(pc) =	sbr.rel @p0 .LBB2_2-.Ltmp0, $4  }
0x27: {  	_ = 	snop  }
0x28: {  	s16 =	sadd.s32 $0x200, s16  }
0x29: {  	_ =	swait.ge [sflag:s8], $0x80  }
0x2a: {  	[sflag:s8] =	ssyncset.done $0x0  }
0x2b: {  	s15 =	sadd.s32 $0x1, s15  }
0x2c: {  	[sflag:s8] =	ssyncadd.s32 $0xFFFFFF80;
	p0 =	sne.s32 s15, s7  }
.Ltmp1:
0x2d: {  	[bflag:$0x0] =	sbarrier.arrive $0xFFFF;
	(pc) =	sbr.rel @p0 .LBB2_1-.Ltmp1, $4  }
0x2e: {  	[hbm:s6@s13], [sflag:s9] =	dma.strided [spmem:s10@s14], $0x50, s8, $0x10   }
0x2f: {  	_ =	swait.ge [sflag:s8], $0x50  }
0x30: {  	[sflag:s8] =	ssyncset.done $0x0  }
0x31: {  	[sflag:s8] =	ssyncadd.s32 $0xFFFFFFB0  }
0x32: {  	_ =	sfence.sel $0x180000  }
0x33: {  	[bflag:$0x0] =	sbarrier.arrive $0xFFFF  }
0x34: {  	p0 =	sne.s32 s1, $0x0;
	_ =	strace $0x90000047  }
0x35: {  	s0 =	sadd.s32 @!p0 $0x100000, s0;
	[bflag:$0x2] =	sbarrier.arrive $0xFFFF  }
0x36: {  	[sflag:s0] =	ssyncadd.tile.s32 @!p0 $0x1;
	_ =	shalt  }
.Lfunc_end2:
_tile_overlayer_lowered:
.L_overlay_start_2:
0x37: {  	(tag) =	ssettag $0x2  }
0x38: {  	s0 =	rddreg [dreg:$0x0];
	s2 =	stileid.u32  }
0x39: {  	s1 =	rddreg [dreg:$0x1];
	p0 =	sne.s32 s2, $0x0  }
0x3a: {  	s3 =	rddreg [dreg:$0x2];
	[bflag:$0x3] =	sbarrier.arrive $0xFFFF;
	s2 =	simm.s32 @!p0 $0x1C01  }
0x3b: {  	[timem:s3], [sflag:s2] =	dma.local @!p0 [hbm:s0], s1  }
0x3c: {  	s0 =	simm.s32 @!p0 $0x1  }
0x3d: {  	_ =	swait.ge @!p0 [sflag:s0], s1  }
0x3e: {  	s1 =	ssub.s32 @!p0 $0x0, s1;
	[sflag:s0] =	ssyncset.done @!p0 $0x0  }
0x3f: {  	[sflag:s0] =	ssyncadd.s32 @!p0 s1  }
0x40: {  	[bflag:$0x3] =	sbarrier.arrive $0xFFFF  }
0x41: {  	_ =	shalt  }

</sc_bundles>
